<compile_context>
chip_gen: v7x
topology: tpu7x:2x2x1
jax: 0.10.2.dev20260603
libtpu: 0.0.44.dev20260713+nightly
codegen_flags: <defaults>
</compile_context>

<pallas_src>
import functools

import jax
import jax.numpy as jnp
from jax import lax
from jax.experimental import pallas as pl
from jax.experimental.pallas import tpu as pltpu
from jax.experimental.pallas import tpu_sc as plsc

_EMBED = 256
_NC = 2
_NS = 16
_NW = _NC * _NS
_L = 16
_NITER = 128
_DCH = 48
_TCH = 80


def _emb_call(idx, table2d, table_flat, b_per_w):
    mesh = plsc.VectorSubcoreMesh(core_axis_name="c", subcore_axis_name="s")
    B = idx.shape[0]
    VD = table_flat.shape[0]
    n_drows = _NITER * _DCH
    n_trows = _NITER * _TCH

    @functools.partial(
        pl.kernel,
        mesh=mesh,
        out_type=jax.ShapeDtypeStruct((B, _EMBED), jnp.float32),
        compiler_params=pltpu.CompilerParams(needs_layout_passes=False),
        scratch_types=[
            pltpu.VMEM((VD,), jnp.float32),
            pltpu.VMEM((n_drows,), jnp.int32),
            pltpu.VMEM((n_trows,), jnp.int32),
            *[pltpu.VMEM((_DCH, _EMBED), jnp.float32) for _ in range(2)],
            *[pltpu.VMEM((_TCH, _EMBED), jnp.float32) for _ in range(2)],
            *[pltpu.SemaphoreType.DMA for _ in range(6)],
        ],
    )
    def emb(idx_hbm, tab2_hbm, tabf_hbm, out_hbm, tab_v, idxd, idxt,
            d0, d1, t0, t1, dg0, dg1, dw0, dw1, tw0, tw1):
        dbuf, dgs, dws = [d0, d1], [dg0, dg1], [dw0, dw1]
        tbuf, tws = [t0, t1], [tw0, tw1]
        wid = lax.axis_index("s") * _NC + lax.axis_index("c")
        base = wid * (n_drows + n_trows)
        dbase = base
        tbase = base + n_drows

        pltpu.sync_copy(tabf_hbm, tab_v)
        pltpu.sync_copy(idx_hbm.at[pl.ds(dbase, n_drows)], idxd)
        pltpu.sync_copy(idx_hbm.at[pl.ds(tbase, n_trows)], idxt)

        def dgather(g, b):
            return pltpu.make_async_copy(
                tab2_hbm.at[idxd.at[pl.ds(g * _DCH, _DCH)]], dbuf[b], dgs[b])

        def dwrite(g, b):
            return pltpu.make_async_copy(
                dbuf[b], out_hbm.at[pl.ds(dbase + g * _DCH, _DCH)], dws[b])

        def twrite(g, b):
            return pltpu.make_async_copy(
                tbuf[b], out_hbm.at[pl.ds(tbase + g * _TCH, _TCH)], tws[b])

        def fill(g, buf):
            goff = g * _TCH

            @plsc.parallel_loop(0, _TCH, unroll=4)
            def _(i):
                iv = idxt[pl.ds(goff + ((i >> 4) << 4), _L)]
                r = jnp.full((_L,), i & 15, jnp.int32)
                bi = lax.gather(
                    iv, r[:, None],
                    lax.GatherDimensionNumbers(
                        offset_dims=(), collapsed_slice_dims=(0,),
                        start_index_map=(0,)),
                    slice_sizes=(1,),
                    mode=lax.GatherScatterMode.PROMISE_IN_BOUNDS)
                sb = bi[0] * _EMBED
                for j0 in range(_EMBED // _L):
                    buf[i, pl.ds(j0 * _L, _L)] = tab_v[pl.ds(sb + j0 * _L, _L)]

        dgather(0, 0).start()

        def body(G, carry):
            for b in range(2):
                g = G * 2 + b

                @pl.when(g >= 1)
                def _():
                    dwrite(g - 1, 1 - b).wait()

                @pl.when(g + 1 < _NITER)
                def _():
                    dgather(g + 1, 1 - b).start()

                dgather(g, b).wait()
                dwrite(g, b).start()

                @pl.when(g >= 2)
                def _():
                    twrite(g - 2, b).wait()

                fill(g, tbuf[b])
                twrite(g, b).start()
            return carry

        lax.fori_loop(0, _NITER // 2, body, 0)

        dwrite(_NITER - 1, (_NITER - 1) & 1).wait()
        twrite(_NITER - 2, 0).wait()
        twrite(_NITER - 1, 1).wait()

    return emb(idx, table2d, table_flat)


def kernel(tile, table):
    B = tile.size
    idx = tile.reshape(B).astype(jnp.int32)
    b_per_w = B // _NW
    out = _emb_call(idx, table, table.reshape(-1), b_per_w)
    return out.reshape(tile.shape + (_EMBED,))

# --- scband reference (transcript-rebuilt; emitter-appended) ---
"""Pipeline reference for scband-ginka-tile-embedding-3564822855935 (READ-ONLY COPY).

The authoritative reference and input builder live on the scoring server;
editing this copy changes nothing except your own understanding.
"""

import jax, jax.numpy as jnp
import numpy as np

TILE_CLASSES = 32
EMBED_DIM = 256

def setup_inputs(seed: int = 0) -> dict:
    key = jax.random.key(seed)
    k1, k2 = jax.random.split(key)
    tile = jax.random.randint(k1, (512, 32, 32), 0, TILE_CLASSES, dtype=jnp.int64)
    # nn.Embedding default init: N(0, 1)
    table = jax.random.normal(k2, (TILE_CLASSES, EMBED_DIM), dtype=jnp.float32)
    return {"tile": tile, "table": table}

def reference(tile, table):
    # nn.Embedding forward: gather rows of the table by index
    return jnp.take(table, tile, axis=0)

if __name__ == "__main__":
    import jax
    _d = setup_inputs()
    print(jax.jit(kernel)(*tuple(_d.values())))

</pallas_src>

<mosaic_0001>
#map = affine_map<(d0, d1) -> (0)>
#map1 = affine_map<(d0, d1) -> (0, 0)>
module attributes {stable_mosaic.version = 14 : i64} {
  func.func @emb(%arg0: i32, %arg1: i32, %arg2: memref<524288xi32, #tpu.memory_space<hbm>>, %arg3: memref<32x256xf32, #tpu.memory_space<hbm>>, %arg4: memref<8192xf32, #tpu.memory_space<hbm>>, %arg5: memref<524288x256xf32, #tpu.memory_space<hbm>>, %arg6: memref<8192xf32, #tpu.memory_space<vmem>>, %arg7: memref<6144xi32, #tpu.memory_space<vmem>>, %arg8: memref<10240xi32, #tpu.memory_space<vmem>>, %arg9: memref<48x256xf32, #tpu.memory_space<vmem>>, %arg10: memref<48x256xf32, #tpu.memory_space<vmem>>, %arg11: memref<80x256xf32, #tpu.memory_space<vmem>>, %arg12: memref<80x256xf32, #tpu.memory_space<vmem>>, %arg13: memref<!tpu.dma_semaphore, #tpu.memory_space<semaphore_mem>>, %arg14: memref<!tpu.dma_semaphore, #tpu.memory_space<semaphore_mem>>, %arg15: memref<!tpu.dma_semaphore, #tpu.memory_space<semaphore_mem>>, %arg16: memref<!tpu.dma_semaphore, #tpu.memory_space<semaphore_mem>>, %arg17: memref<!tpu.dma_semaphore, #tpu.memory_space<semaphore_mem>>, %arg18: memref<!tpu.dma_semaphore, #tpu.memory_space<semaphore_mem>>) attributes {dimension_semantics = [#tpu.dimension_semantics<core_parallel>, #tpu.dimension_semantics<subcore_parallel>], iteration_bounds = array<i64: 2, 16>, scalar_prefetch = 0 : i64, scratch_operands = 13 : i64, tpu.core_type = #tpu.core_type<sc_vector_subcore>, window_params = [{transform_indices = #map}, {transform_indices = #map1}, {transform_indices = #map}, {transform_indices = #map1}]} {
    %mul3A = arith.constant 2 : i32
    %mul3A_0 = arith.muli %arg1, %mul3A : i32
    %add3A = arith.addi %mul3A_0, %arg0 : i32
    %mul3A_1 = arith.constant 16384 : i32
    %mul3A_2 = arith.muli %add3A, %mul3A_1 : i32
    %add3A_3 = arith.constant 6144 : i32
    %add3A_4 = arith.addi %mul3A_2, %add3A_3 : i32
    "tpu.region"() ({
      %run_scoped3A = tpu.sem_alloc : memref<!tpu.dma_semaphore, #tpu.memory_space<semaphore_mem>>
      tpu.enqueue_dma source(%arg4 : memref<8192xf32, #tpu.memory_space<hbm>>) target(%arg6 : memref<8192xf32, #tpu.memory_space<vmem>>) target_semaphore(%run_scoped3A : memref<!tpu.dma_semaphore, #tpu.memory_space<semaphore_mem>>)
      tpu.wait_dma2 semaphore(%run_scoped3A : memref<!tpu.dma_semaphore, #tpu.memory_space<semaphore_mem>>) src(%arg4 : memref<8192xf32, #tpu.memory_space<hbm>>) dst(%arg6 : memref<8192xf32, #tpu.memory_space<vmem>>)
      tpu.yield
    }) : () -> ()
    "tpu.region"() ({
      %run_scoped3A = tpu.sem_alloc : memref<!tpu.dma_semaphore, #tpu.memory_space<semaphore_mem>>
      %dma_start3A_31 = tpu.memref_slice %arg2[%mul3A_2] : memref<524288xi32, #tpu.memory_space<hbm>> -> memref<6144xi32, #tpu.memory_space<hbm>>
      %dma_start3A_32 = tpu.memref_slice %arg2[%mul3A_2] : memref<524288xi32, #tpu.memory_space<hbm>> -> memref<6144xi32, #tpu.memory_space<hbm>>
      tpu.enqueue_dma source(%dma_start3A_32 : memref<6144xi32, #tpu.memory_space<hbm>>) target(%arg7 : memref<6144xi32, #tpu.memory_space<vmem>>) target_semaphore(%run_scoped3A : memref<!tpu.dma_semaphore, #tpu.memory_space<semaphore_mem>>)
      %dma_wait3A_33 = tpu.memref_slice %arg2[%mul3A_2] : memref<524288xi32, #tpu.memory_space<hbm>> -> memref<6144xi32, #tpu.memory_space<hbm>>
      %dma_wait3A_34 = tpu.memref_slice %arg2[%mul3A_2] : memref<524288xi32, #tpu.memory_space<hbm>> -> memref<6144xi32, #tpu.memory_space<hbm>>
      tpu.wait_dma2 semaphore(%run_scoped3A : memref<!tpu.dma_semaphore, #tpu.memory_space<semaphore_mem>>) src(%dma_wait3A_34 : memref<6144xi32, #tpu.memory_space<hbm>>) dst(%arg7 : memref<6144xi32, #tpu.memory_space<vmem>>)
      tpu.yield
    }) : () -> ()
    "tpu.region"() ({
      %run_scoped3A = tpu.sem_alloc : memref<!tpu.dma_semaphore, #tpu.memory_space<semaphore_mem>>
      %dma_start3A_31 = tpu.memref_slice %arg2[%add3A_4] : memref<524288xi32, #tpu.memory_space<hbm>> -> memref<10240xi32, #tpu.memory_space<hbm>>
      %dma_start3A_32 = tpu.memref_slice %arg2[%add3A_4] : memref<524288xi32, #tpu.memory_space<hbm>> -> memref<10240xi32, #tpu.memory_space<hbm>>
      tpu.enqueue_dma source(%dma_start3A_32 : memref<10240xi32, #tpu.memory_space<hbm>>) target(%arg8 : memref<10240xi32, #tpu.memory_space<vmem>>) target_semaphore(%run_scoped3A : memref<!tpu.dma_semaphore, #tpu.memory_space<semaphore_mem>>)
      %dma_wait3A_33 = tpu.memref_slice %arg2[%add3A_4] : memref<524288xi32, #tpu.memory_space<hbm>> -> memref<10240xi32, #tpu.memory_space<hbm>>
      %dma_wait3A_34 = tpu.memref_slice %arg2[%add3A_4] : memref<524288xi32, #tpu.memory_space<hbm>> -> memref<10240xi32, #tpu.memory_space<hbm>>
      tpu.wait_dma2 semaphore(%run_scoped3A : memref<!tpu.dma_semaphore, #tpu.memory_space<semaphore_mem>>) src(%dma_wait3A_34 : memref<10240xi32, #tpu.memory_space<hbm>>) dst(%arg8 : memref<10240xi32, #tpu.memory_space<vmem>>)
      tpu.yield
    }) : () -> ()
    %dma_start3A = arith.constant 0 : i32
    %dma_start3A_5 = tpu.memref_slice %arg7[%dma_start3A] : memref<6144xi32, #tpu.memory_space<vmem>> -> memref<48xi32, #tpu.memory_space<vmem>>
    %dma_start3A_6 = arith.constant 0 : i32
    %dma_start3A_7 = arith.constant 0 : i32
    %dma_start3A_8 = tpu.memref_slice %arg3[%dma_start3A_6, %dma_start3A_7] : memref<32x256xf32, #tpu.memory_space<hbm>> -> memref<32x256xf32, #tpu.memory_space<hbm>>
    tpu.enqueue_indirect_dma source(%dma_start3A_8 : memref<32x256xf32, #tpu.memory_space<hbm>>) target(%arg9 : memref<48x256xf32, #tpu.memory_space<vmem>>) offsets(%dma_start3A_5 : memref<48xi32, #tpu.memory_space<vmem>>) semaphore(%arg13 : memref<!tpu.dma_semaphore, #tpu.memory_space<semaphore_mem>>)
    %scan3A = arith.constant 0 : i32
    %scan3A_9 = arith.constant 0 : i32
    %scan3A_10 = arith.constant 64 : i32
    %scan3A_11 = arith.addi %scan3A_9, %scan3A_10 : i32
    %scan3A_12 = arith.constant 1 : i32
    scf.for %scan3A_31 = %scan3A_9 to %scan3A_11 step %scan3A_12  : i32 {
      %mul3A_32 = arith.constant 2 : i32
      %mul3A_33 = arith.muli %scan3A_31, %mul3A_32 : i32
      %add3A_34 = arith.constant 0 : i32
      %add3A_35 = arith.addi %mul3A_33, %add3A_34 : i32
      %ge3A = arith.constant 1 : i32
      %ge3A_36 = arith.cmpi sge, %add3A_35, %ge3A : i32
      %convert_element_type3A = arith.extui %ge3A_36 : i1 to i32
      %cond3A = arith.constant 0 : i32
      %cond3A_37 = arith.cmpi ne, %convert_element_type3A, %cond3A : i32
      scf.if %cond3A_37 {
        %sub3A = arith.constant 1 : i32
        %sub3A_119 = arith.subi %add3A_35, %sub3A : i32
        %mul3A_120 = arith.constant 48 : i32
        %mul3A_121 = arith.muli %sub3A_119, %mul3A_120 : i32
        %add3A_122 = arith.addi %mul3A_2, %mul3A_121 : i32
        %dma_wait3A_123 = arith.constant 0 : i32
        %dma_wait3A_124 = tpu.memref_slice %arg5[%add3A_122, %dma_wait3A_123] : memref<524288x256xf32, #tpu.memory_space<hbm>> -> memref<48x256xf32, #tpu.memory_space<hbm>>
        %dma_wait3A_125 = arith.constant 0 : i32
        %dma_wait3A_126 = tpu.memref_slice %arg5[%add3A_122, %dma_wait3A_125] : memref<524288x256xf32, #tpu.memory_space<hbm>> -> memref<48x256xf32, #tpu.memory_space<hbm>>
        tpu.wait_dma2 semaphore(%arg16 : memref<!tpu.dma_semaphore, #tpu.memory_space<semaphore_mem>>) src(%arg10 : memref<48x256xf32, #tpu.memory_space<vmem>>) dst(%dma_wait3A_126 : memref<48x256xf32, #tpu.memory_space<hbm>>)
      } else {
      }
      %add3A_38 = arith.constant 1 : i32
      %add3A_39 = arith.addi %add3A_35, %add3A_38 : i32
      %lt3A = arith.constant 128 : i32
      %lt3A_40 = arith.cmpi slt, %add3A_39, %lt3A : i32
      %convert_element_type3A_41 = arith.extui %lt3A_40 : i1 to i32
      %cond3A_42 = arith.constant 0 : i32
      %cond3A_43 = arith.cmpi ne, %convert_element_type3A_41, %cond3A_42 : i32
      scf.if %cond3A_43 {
        %add3A_119 = arith.constant 1 : i32
        %add3A_120 = arith.addi %add3A_35, %add3A_119 : i32
        %mul3A_121 = arith.constant 48 : i32
        %mul3A_122 = arith.muli %add3A_120, %mul3A_121 : i32
        %dma_start3A_123 = tpu.memref_slice %arg7[%mul3A_122] : memref<6144xi32, #tpu.memory_space<vmem>> -> memref<48xi32, #tpu.memory_space<vmem>>
        %dma_start3A_124 = arith.constant 0 : i32
        %dma_start3A_125 = arith.constant 0 : i32
        %dma_start3A_126 = tpu.memref_slice %arg3[%dma_start3A_124, %dma_start3A_125] : memref<32x256xf32, #tpu.memory_space<hbm>> -> memref<32x256xf32, #tpu.memory_space<hbm>>
        tpu.enqueue_indirect_dma source(%dma_start3A_126 : memref<32x256xf32, #tpu.memory_space<hbm>>) target(%arg10 : memref<48x256xf32, #tpu.memory_space<vmem>>) offsets(%dma_start3A_123 : memref<48xi32, #tpu.memory_space<vmem>>) semaphore(%arg14 : memref<!tpu.dma_semaphore, #tpu.memory_space<semaphore_mem>>)
      } else {
      }
      %mul3A_44 = arith.constant 48 : i32
      %mul3A_45 = arith.muli %add3A_35, %mul3A_44 : i32
      %dma_wait3A_46 = tpu.memref_slice %arg7[%mul3A_45] : memref<6144xi32, #tpu.memory_space<vmem>> -> memref<48xi32, #tpu.memory_space<vmem>>
      %dma_wait3A_47 = arith.constant 0 : i32
      %dma_wait3A_48 = arith.constant 0 : i32
      %dma_wait3A_49 = tpu.memref_slice %arg3[%dma_wait3A_47, %dma_wait3A_48] : memref<32x256xf32, #tpu.memory_space<hbm>> -> memref<32x256xf32, #tpu.memory_space<hbm>>
      tpu.wait_indirect_dma semaphore(%arg13 : memref<!tpu.dma_semaphore, #tpu.memory_space<semaphore_mem>>) src(%dma_wait3A_49 : memref<32x256xf32, #tpu.memory_space<hbm>>) dst(%arg9 : memref<48x256xf32, #tpu.memory_space<vmem>>)
      %mul3A_50 = arith.constant 48 : i32
      %mul3A_51 = arith.muli %add3A_35, %mul3A_50 : i32
      %add3A_52 = arith.addi %mul3A_2, %mul3A_51 : i32
      %dma_start3A_53 = arith.constant 0 : i32
      %dma_start3A_54 = tpu.memref_slice %arg5[%add3A_52, %dma_start3A_53] : memref<524288x256xf32, #tpu.memory_space<hbm>> -> memref<48x256xf32, #tpu.memory_space<hbm>>
      %dma_start3A_55 = arith.constant 0 : i32
      %dma_start3A_56 = tpu.memref_slice %arg5[%add3A_52, %dma_start3A_55] : memref<524288x256xf32, #tpu.memory_space<hbm>> -> memref<48x256xf32, #tpu.memory_space<hbm>>
      tpu.enqueue_dma source(%arg9 : memref<48x256xf32, #tpu.memory_space<vmem>>) target(%dma_start3A_56 : memref<48x256xf32, #tpu.memory_space<hbm>>) target_semaphore(%arg15 : memref<!tpu.dma_semaphore, #tpu.memory_space<semaphore_mem>>)
      %ge3A_57 = arith.constant 2 : i32
      %ge3A_58 = arith.cmpi sge, %add3A_35, %ge3A_57 : i32
      %convert_element_type3A_59 = arith.extui %ge3A_58 : i1 to i32
      %cond3A_60 = arith.constant 0 : i32
      %cond3A_61 = arith.cmpi ne, %convert_element_type3A_59, %cond3A_60 : i32
      scf.if %cond3A_61 {
        %sub3A = arith.constant 2 : i32
        %sub3A_119 = arith.subi %add3A_35, %sub3A : i32
        %mul3A_120 = arith.constant 80 : i32
        %mul3A_121 = arith.muli %sub3A_119, %mul3A_120 : i32
        %add3A_122 = arith.addi %add3A_4, %mul3A_121 : i32
        %dma_wait3A_123 = arith.constant 0 : i32
        %dma_wait3A_124 = tpu.memref_slice %arg5[%add3A_122, %dma_wait3A_123] : memref<524288x256xf32, #tpu.memory_space<hbm>> -> memref<80x256xf32, #tpu.memory_space<hbm>>
        %dma_wait3A_125 = arith.constant 0 : i32
        %dma_wait3A_126 = tpu.memref_slice %arg5[%add3A_122, %dma_wait3A_125] : memref<524288x256xf32, #tpu.memory_space<hbm>> -> memref<80x256xf32, #tpu.memory_space<hbm>>
        tpu.wait_dma2 semaphore(%arg17 : memref<!tpu.dma_semaphore, #tpu.memory_space<semaphore_mem>>) src(%arg11 : memref<80x256xf32, #tpu.memory_space<vmem>>) dst(%dma_wait3A_126 : memref<80x256xf32, #tpu.memory_space<hbm>>)
      } else {
      }
      %mul3A_62 = arith.constant 80 : i32
      %mul3A_63 = arith.muli %add3A_35, %mul3A_62 : i32
      %parallel_loop3A = arith.constant 0 : i32
      %parallel_loop3A_64 = arith.constant 80 : i32
      %parallel_loop3A_65 = arith.constant 1 : i32
      scf.for %parallel_loop3A_119 = %parallel_loop3A to %parallel_loop3A_64 step %parallel_loop3A_65  : i32 {
        %parallel_loop3A_120 = arith.constant 4 : i32
        %parallel_loop3A_121 = arith.shrsi %parallel_loop3A_119, %parallel_loop3A_120 : i32
        %parallel_loop3A_122 = arith.constant 4 : i32
        %parallel_loop3A_123 = arith.shli %parallel_loop3A_121, %parallel_loop3A_122 : i32
        %parallel_loop3A_124 = arith.addi %mul3A_63, %parallel_loop3A_123 : i32
        %parallel_loop3A_125 = arith.index_cast %parallel_loop3A_124 : i32 to index
        %parallel_loop3A_126 = tpu.vector_load %arg8[%parallel_loop3A_125] {strides = array<i32>} : memref<10240xi32, #tpu.memory_space<vmem>>, vector<16xi32>,
        %parallel_loop3A_127 = arith.constant 15 : i32
        %parallel_loop3A_128 = arith.andi %parallel_loop3A_119, %parallel_loop3A_127 : i32
        %parallel_loop3A_129 = vector.broadcast %parallel_loop3A_128 : i32 to vector<16xi32>
        %parallel_loop3A_130 = vector.shape_cast %parallel_loop3A_129 : vector<16xi32> to vector<16x1xi32>
        %parallel_loop3A_131 = vector.shape_cast %parallel_loop3A_130 : vector<16x1xi32> to vector<16xi32>
        %parallel_loop3A_132 = tpu.dynamic_gather %parallel_loop3A_126[%parallel_loop3A_131] in [0] : vector<16xi32>, vector<16xi32> -> vector<16xi32>
        %parallel_loop3A_133 = vector.extract_strided_slice %parallel_loop3A_132 {offsets = [0], sizes = [1], strides = [1]} : vector<16xi32> to vector<1xi32>
        %parallel_loop3A_134 = vector.extract %parallel_loop3A_133[0] : i32 from vector<1xi32>
        %parallel_loop3A_135 = arith.constant 256 : i32
        %parallel_loop3A_136 = arith.muli %parallel_loop3A_134, %parallel_loop3A_135 : i32
        %parallel_loop3A_137 = arith.constant 0 : i32
        %parallel_loop3A_138 = arith.addi %parallel_loop3A_136, %parallel_loop3A_137 : i32
        %parallel_loop3A_139 = arith.index_cast %parallel_loop3A_138 : i32 to index
        %parallel_loop3A_140 = tpu.vector_load %arg6[%parallel_loop3A_139] {strides = array<i32>} : memref<8192xf32, #tpu.memory_space<vmem>>, vector<16xf32>,
        %parallel_loop3A_141 = arith.index_cast %parallel_loop3A_119 : i32 to index
        %parallel_loop3A_142 = arith.constant 0 : index
        %parallel_loop3A_143 = tpu.vector_load %arg11[%parallel_loop3A_141, %parallel_loop3A_142] {strides = array<i32>} : memref<80x256xf32, #tpu.memory_space<vmem>>, vector<16xf32>,
        tpu.vector_store %arg11[%parallel_loop3A_141, %parallel_loop3A_142], %parallel_loop3A_140 {strides = array<i32>} : memref<80x256xf32, #tpu.memory_space<vmem>>, vector<16xf32>,
        %parallel_loop3A_144 = arith.constant 16 : i32
        %parallel_loop3A_145 = arith.addi %parallel_loop3A_136, %parallel_loop3A_144 : i32
        %parallel_loop3A_146 = arith.index_cast %parallel_loop3A_145 : i32 to index
        %parallel_loop3A_147 = tpu.vector_load %arg6[%parallel_loop3A_146] {strides = array<i32>} : memref<8192xf32, #tpu.memory_space<vmem>>, vector<16xf32>,
        %parallel_loop3A_148 = arith.index_cast %parallel_loop3A_119 : i32 to index
        %parallel_loop3A_149 = arith.constant 16 : index
        %parallel_loop3A_150 = tpu.vector_load %arg11[%parallel_loop3A_148, %parallel_loop3A_149] {strides = array<i32>} : memref<80x256xf32, #tpu.memory_space<vmem>>, vector<16xf32>,
        tpu.vector_store %arg11[%parallel_loop3A_148, %parallel_loop3A_149], %parallel_loop3A_147 {strides = array<i32>} : memref<80x256xf32, #tpu.memory_space<vmem>>, vector<16xf32>,
        %parallel_loop3A_151 = arith.constant 32 : i32
        %parallel_loop3A_152 = arith.addi %parallel_loop3A_136, %parallel_loop3A_151 : i32
        %parallel_loop3A_153 = arith.index_cast %parallel_loop3A_152 : i32 to index
        %parallel_loop3A_154 = tpu.vector_load %arg6[%parallel_loop3A_153] {strides = array<i32>} : memref<8192xf32, #tpu.memory_space<vmem>>, vector<16xf32>,
        %parallel_loop3A_155 = arith.index_cast %parallel_loop3A_119 : i32 to index
        %parallel_loop3A_156 = arith.constant 32 : index
        %parallel_loop3A_157 = tpu.vector_load %arg11[%parallel_loop3A_155, %parallel_loop3A_156] {strides = array<i32>} : memref<80x256xf32, #tpu.memory_space<vmem>>, vector<16xf32>,
        tpu.vector_store %arg11[%parallel_loop3A_155, %parallel_loop3A_156], %parallel_loop3A_154 {strides = array<i32>} : memref<80x256xf32, #tpu.memory_space<vmem>>, vector<16xf32>,
        %parallel_loop3A_158 = arith.constant 48 : i32
        %parallel_loop3A_159 = arith.addi %parallel_loop3A_136, %parallel_loop3A_158 : i32
        %parallel_loop3A_160 = arith.index_cast %parallel_loop3A_159 : i32 to index
        %parallel_loop3A_161 = tpu.vector_load %arg6[%parallel_loop3A_160] {strides = array<i32>} : memref<8192xf32, #tpu.memory_space<vmem>>, vector<16xf32>,
        %parallel_loop3A_162 = arith.index_cast %parallel_loop3A_119 : i32 to index
        %parallel_loop3A_163 = arith.constant 48 : index
        %parallel_loop3A_164 = tpu.vector_load %arg11[%parallel_loop3A_162, %parallel_loop3A_163] {strides = array<i32>} : memref<80x256xf32, #tpu.memory_space<vmem>>, vector<16xf32>,
        tpu.vector_store %arg11[%parallel_loop3A_162, %parallel_loop3A_163], %parallel_loop3A_161 {strides = array<i32>} : memref<80x256xf32, #tpu.memory_space<vmem>>, vector<16xf32>,
        %parallel_loop3A_165 = arith.constant 64 : i32
        %parallel_loop3A_166 = arith.addi %parallel_loop3A_136, %parallel_loop3A_165 : i32
        %parallel_loop3A_167 = arith.index_cast %parallel_loop3A_166 : i32 to index
        %parallel_loop3A_168 = tpu.vector_load %arg6[%parallel_loop3A_167] {strides = array<i32>} : memref<8192xf32, #tpu.memory_space<vmem>>, vector<16xf32>,
        %parallel_loop3A_169 = arith.index_cast %parallel_loop3A_119 : i32 to index
        %parallel_loop3A_170 = arith.constant 64 : index
        %parallel_loop3A_171 = tpu.vector_load %arg11[%parallel_loop3A_169, %parallel_loop3A_170] {strides = array<i32>} : memref<80x256xf32, #tpu.memory_space<vmem>>, vector<16xf32>,
        tpu.vector_store %arg11[%parallel_loop3A_169, %parallel_loop3A_170], %parallel_loop3A_168 {strides = array<i32>} : memref<80x256xf32, #tpu.memory_space<vmem>>, vector<16xf32>,
        %parallel_loop3A_172 = arith.constant 80 : i32
        %parallel_loop3A_173 = arith.addi %parallel_loop3A_136, %parallel_loop3A_172 : i32
        %parallel_loop3A_174 = arith.index_cast %parallel_loop3A_173 : i32 to index
        %parallel_loop3A_175 = tpu.vector_load %arg6[%parallel_loop3A_174] {strides = array<i32>} : memref<8192xf32, #tpu.memory_space<vmem>>, vector<16xf32>,
        %parallel_loop3A_176 = arith.index_cast %parallel_loop3A_119 : i32 to index
        %parallel_loop3A_177 = arith.constant 80 : index
        %parallel_loop3A_178 = tpu.vector_load %arg11[%parallel_loop3A_176, %parallel_loop3A_177] {strides = array<i32>} : memref<80x256xf32, #tpu.memory_space<vmem>>, vector<16xf32>,
        tpu.vector_store %arg11[%parallel_loop3A_176, %parallel_loop3A_177], %parallel_loop3A_175 {strides = array<i32>} : memref<80x256xf32, #tpu.memory_space<vmem>>, vector<16xf32>,
        %parallel_loop3A_179 = arith.constant 96 : i32
        %parallel_loop3A_180 = arith.addi %parallel_loop3A_136, %parallel_loop3A_179 : i32
        %parallel_loop3A_181 = arith.index_cast %parallel_loop3A_180 : i32 to index
        %parallel_loop3A_182 = tpu.vector_load %arg6[%parallel_loop3A_181] {strides = array<i32>} : memref<8192xf32, #tpu.memory_space<vmem>>, vector<16xf32>,
        %parallel_loop3A_183 = arith.index_cast %parallel_loop3A_119 : i32 to index
        %parallel_loop3A_184 = arith.constant 96 : index
        %parallel_loop3A_185 = tpu.vector_load %arg11[%parallel_loop3A_183, %parallel_loop3A_184] {strides = array<i32>} : memref<80x256xf32, #tpu.memory_space<vmem>>, vector<16xf32>,
        tpu.vector_store %arg11[%parallel_loop3A_183, %parallel_loop3A_184], %parallel_loop3A_182 {strides = array<i32>} : memref<80x256xf32, #tpu.memory_space<vmem>>, vector<16xf32>,
        %parallel_loop3A_186 = arith.constant 112 : i32
        %parallel_loop3A_187 = arith.addi %parallel_loop3A_136, %parallel_loop3A_186 : i32
        %parallel_loop3A_188 = arith.index_cast %parallel_loop3A_187 : i32 to index
        %parallel_loop3A_189 = tpu.vector_load %arg6[%parallel_loop3A_188] {strides = array<i32>} : memref<8192xf32, #tpu.memory_space<vmem>>, vector<16xf32>,
        %parallel_loop3A_190 = arith.index_cast %parallel_loop3A_119 : i32 to index
        %parallel_loop3A_191 = arith.constant 112 : index
        %parallel_loop3A_192 = tpu.vector_load %arg11[%parallel_loop3A_190, %parallel_loop3A_191] {strides = array<i32>} : memref<80x256xf32, #tpu.memory_space<vmem>>, vector<16xf32>,
        tpu.vector_store %arg11[%parallel_loop3A_190, %parallel_loop3A_191], %parallel_loop3A_189 {strides = array<i32>} : memref<80x256xf32, #tpu.memory_space<vmem>>, vector<16xf32>,
        %parallel_loop3A_193 = arith.constant 128 : i32
        %parallel_loop3A_194 = arith.addi %parallel_loop3A_136, %parallel_loop3A_193 : i32
        %parallel_loop3A_195 = arith.index_cast %parallel_loop3A_194 : i32 to index
        %parallel_loop3A_196 = tpu.vector_load %arg6[%parallel_loop3A_195] {strides = array<i32>} : memref<8192xf32, #tpu.memory_space<vmem>>, vector<16xf32>,
        %parallel_loop3A_197 = arith.index_cast %parallel_loop3A_119 : i32 to index
        %parallel_loop3A_198 = arith.constant 128 : index
        %parallel_loop3A_199 = tpu.vector_load %arg11[%parallel_loop3A_197, %parallel_loop3A_198] {strides = array<i32>} : memref<80x256xf32, #tpu.memory_space<vmem>>, vector<16xf32>,
        tpu.vector_store %arg11[%parallel_loop3A_197, %parallel_loop3A_198], %parallel_loop3A_196 {strides = array<i32>} : memref<80x256xf32, #tpu.memory_space<vmem>>, vector<16xf32>,
        %parallel_loop3A_200 = arith.constant 144 : i32
        %parallel_loop3A_201 = arith.addi %parallel_loop3A_136, %parallel_loop3A_200 : i32
        %parallel_loop3A_202 = arith.index_cast %parallel_loop3A_201 : i32 to index
        %parallel_loop3A_203 = tpu.vector_load %arg6[%parallel_loop3A_202] {strides = array<i32>} : memref<8192xf32, #tpu.memory_space<vmem>>, vector<16xf32>,
        %parallel_loop3A_204 = arith.index_cast %parallel_loop3A_119 : i32 to index
        %parallel_loop3A_205 = arith.constant 144 : index
        %parallel_loop3A_206 = tpu.vector_load %arg11[%parallel_loop3A_204, %parallel_loop3A_205] {strides = array<i32>} : memref<80x256xf32, #tpu.memory_space<vmem>>, vector<16xf32>,
        tpu.vector_store %arg11[%parallel_loop3A_204, %parallel_loop3A_205], %parallel_loop3A_203 {strides = array<i32>} : memref<80x256xf32, #tpu.memory_space<vmem>>, vector<16xf32>,
        %parallel_loop3A_207 = arith.constant 160 : i32
        %parallel_loop3A_208 = arith.addi %parallel_loop3A_136, %parallel_loop3A_207 : i32
        %parallel_loop3A_209 = arith.index_cast %parallel_loop3A_208 : i32 to index
        %parallel_loop3A_210 = tpu.vector_load %arg6[%parallel_loop3A_209] {strides = array<i32>} : memref<8192xf32, #tpu.memory_space<vmem>>, vector<16xf32>,
        %parallel_loop3A_211 = arith.index_cast %parallel_loop3A_119 : i32 to index
        %parallel_loop3A_212 = arith.constant 160 : index
        %parallel_loop3A_213 = tpu.vector_load %arg11[%parallel_loop3A_211, %parallel_loop3A_212] {strides = array<i32>} : memref<80x256xf32, #tpu.memory_space<vmem>>, vector<16xf32>,
        tpu.vector_store %arg11[%parallel_loop3A_211, %parallel_loop3A_212], %parallel_loop3A_210 {strides = array<i32>} : memref<80x256xf32, #tpu.memory_space<vmem>>, vector<16xf32>,
        %parallel_loop3A_214 = arith.constant 176 : i32
        %parallel_loop3A_215 = arith.addi %parallel_loop3A_136, %parallel_loop3A_214 : i32
        %parallel_loop3A_216 = arith.index_cast %parallel_loop3A_215 : i32 to index
        %parallel_loop3A_217 = tpu.vector_load %arg6[%parallel_loop3A_216] {strides = array<i32>} : memref<8192xf32, #tpu.memory_space<vmem>>, vector<16xf32>,
        %parallel_loop3A_218 = arith.index_cast %parallel_loop3A_119 : i32 to index
        %parallel_loop3A_219 = arith.constant 176 : index
        %parallel_loop3A_220 = tpu.vector_load %arg11[%parallel_loop3A_218, %parallel_loop3A_219] {strides = array<i32>} : memref<80x256xf32, #tpu.memory_space<vmem>>, vector<16xf32>,
        tpu.vector_store %arg11[%parallel_loop3A_218, %parallel_loop3A_219], %parallel_loop3A_217 {strides = array<i32>} : memref<80x256xf32, #tpu.memory_space<vmem>>, vector<16xf32>,
        %parallel_loop3A_221 = arith.constant 192 : i32
        %parallel_loop3A_222 = arith.addi %parallel_loop3A_136, %parallel_loop3A_221 : i32
        %parallel_loop3A_223 = arith.index_cast %parallel_loop3A_222 : i32 to index
        %parallel_loop3A_224 = tpu.vector_load %arg6[%parallel_loop3A_223] {strides = array<i32>} : memref<8192xf32, #tpu.memory_space<vmem>>, vector<16xf32>,
        %parallel_loop3A_225 = arith.index_cast %parallel_loop3A_119 : i32 to index
        %parallel_loop3A_226 = arith.constant 192 : index
        %parallel_loop3A_227 = tpu.vector_load %arg11[%parallel_loop3A_225, %parallel_loop3A_226] {strides = array<i32>} : memref<80x256xf32, #tpu.memory_space<vmem>>, vector<16xf32>,
        tpu.vector_store %arg11[%parallel_loop3A_225, %parallel_loop3A_226], %parallel_loop3A_224 {strides = array<i32>} : memref<80x256xf32, #tpu.memory_space<vmem>>, vector<16xf32>,
        %parallel_loop3A_228 = arith.constant 208 : i32
        %parallel_loop3A_229 = arith.addi %parallel_loop3A_136, %parallel_loop3A_228 : i32
        %parallel_loop3A_230 = arith.index_cast %parallel_loop3A_229 : i32 to index
        %parallel_loop3A_231 = tpu.vector_load %arg6[%parallel_loop3A_230] {strides = array<i32>} : memref<8192xf32, #tpu.memory_space<vmem>>, vector<16xf32>,
        %parallel_loop3A_232 = arith.index_cast %parallel_loop3A_119 : i32 to index
        %parallel_loop3A_233 = arith.constant 208 : index
        %parallel_loop3A_234 = tpu.vector_load %arg11[%parallel_loop3A_232, %parallel_loop3A_233] {strides = array<i32>} : memref<80x256xf32, #tpu.memory_space<vmem>>, vector<16xf32>,
        tpu.vector_store %arg11[%parallel_loop3A_232, %parallel_loop3A_233], %parallel_loop3A_231 {strides = array<i32>} : memref<80x256xf32, #tpu.memory_space<vmem>>, vector<16xf32>,
        %parallel_loop3A_235 = arith.constant 224 : i32
        %parallel_loop3A_236 = arith.addi %parallel_loop3A_136, %parallel_loop3A_235 : i32
        %parallel_loop3A_237 = arith.index_cast %parallel_loop3A_236 : i32 to index
        %parallel_loop3A_238 = tpu.vector_load %arg6[%parallel_loop3A_237] {strides = array<i32>} : memref<8192xf32, #tpu.memory_space<vmem>>, vector<16xf32>,
        %parallel_loop3A_239 = arith.index_cast %parallel_loop3A_119 : i32 to index
        %parallel_loop3A_240 = arith.constant 224 : index
        %parallel_loop3A_241 = tpu.vector_load %arg11[%parallel_loop3A_239, %parallel_loop3A_240] {strides = array<i32>} : memref<80x256xf32, #tpu.memory_space<vmem>>, vector<16xf32>,
        tpu.vector_store %arg11[%parallel_loop3A_239, %parallel_loop3A_240], %parallel_loop3A_238 {strides = array<i32>} : memref<80x256xf32, #tpu.memory_space<vmem>>, vector<16xf32>,
        %parallel_loop3A_242 = arith.constant 240 : i32
        %parallel_loop3A_243 = arith.addi %parallel_loop3A_136, %parallel_loop3A_242 : i32
        %parallel_loop3A_244 = arith.index_cast %parallel_loop3A_243 : i32 to index
        %parallel_loop3A_245 = tpu.vector_load %arg6[%parallel_loop3A_244] {strides = array<i32>} : memref<8192xf32, #tpu.memory_space<vmem>>, vector<16xf32>,
        %parallel_loop3A_246 = arith.index_cast %parallel_loop3A_119 : i32 to index
        %parallel_loop3A_247 = arith.constant 240 : index
        %parallel_loop3A_248 = tpu.vector_load %arg11[%parallel_loop3A_246, %parallel_loop3A_247] {strides = array<i32>} : memref<80x256xf32, #tpu.memory_space<vmem>>, vector<16xf32>,
        tpu.vector_store %arg11[%parallel_loop3A_246, %parallel_loop3A_247], %parallel_loop3A_245 {strides = array<i32>} : memref<80x256xf32, #tpu.memory_space<vmem>>, vector<16xf32>,
      } {sc.loop_unroll_factor = 4 : i64, sc.parallel_access}
      %mul3A_66 = arith.constant 80 : i32
      %mul3A_67 = arith.muli %add3A_35, %mul3A_66 : i32
      %add3A_68 = arith.addi %add3A_4, %mul3A_67 : i32
      %dma_start3A_69 = arith.constant 0 : i32
      %dma_start3A_70 = tpu.memref_slice %arg5[%add3A_68, %dma_start3A_69] : memref<524288x256xf32, #tpu.memory_space<hbm>> -> memref<80x256xf32, #tpu.memory_space<hbm>>
      %dma_start3A_71 = arith.constant 0 : i32
      %dma_start3A_72 = tpu.memref_slice %arg5[%add3A_68, %dma_start3A_71] : memref<524288x256xf32, #tpu.memory_space<hbm>> -> memref<80x256xf32, #tpu.memory_space<hbm>>
      tpu.enqueue_dma source(%arg11 : memref<80x256xf32, #tpu.memory_space<vmem>>) target(%dma_start3A_72 : memref<80x256xf32, #tpu.memory_space<hbm>>) target_semaphore(%arg17 : memref<!tpu.dma_semaphore, #tpu.memory_space<semaphore_mem>>)
      %mul3A_73 = arith.constant 2 : i32
      %mul3A_74 = arith.muli %scan3A_31, %mul3A_73 : i32
      %add3A_75 = arith.constant 1 : i32
      %add3A_76 = arith.addi %mul3A_74, %add3A_75 : i32
      %ge3A_77 = arith.constant 1 : i32
      %ge3A_78 = arith.cmpi sge, %add3A_76, %ge3A_77 : i32
      %convert_element_type3A_79 = arith.extui %ge3A_78 : i1 to i32
      %cond3A_80 = arith.constant 0 : i32
      %cond3A_81 = arith.cmpi ne, %convert_element_type3A_79, %cond3A_80 : i32
      scf.if %cond3A_81 {
        %sub3A = arith.constant 1 : i32
        %sub3A_119 = arith.subi %add3A_76, %sub3A : i32
        %mul3A_120 = arith.constant 48 : i32
        %mul3A_121 = arith.muli %sub3A_119, %mul3A_120 : i32
        %add3A_122 = arith.addi %mul3A_2, %mul3A_121 : i32
        %dma_wait3A_123 = arith.constant 0 : i32
        %dma_wait3A_124 = tpu.memref_slice %arg5[%add3A_122, %dma_wait3A_123] : memref<524288x256xf32, #tpu.memory_space<hbm>> -> memref<48x256xf32, #tpu.memory_space<hbm>>
        %dma_wait3A_125 = arith.constant 0 : i32
        %dma_wait3A_126 = tpu.memref_slice %arg5[%add3A_122, %dma_wait3A_125] : memref<524288x256xf32, #tpu.memory_space<hbm>> -> memref<48x256xf32, #tpu.memory_space<hbm>>
        tpu.wait_dma2 semaphore(%arg15 : memref<!tpu.dma_semaphore, #tpu.memory_space<semaphore_mem>>) src(%arg9 : memref<48x256xf32, #tpu.memory_space<vmem>>) dst(%dma_wait3A_126 : memref<48x256xf32, #tpu.memory_space<hbm>>)
      } else {
      }
      %add3A_82 = arith.constant 1 : i32
      %add3A_83 = arith.addi %add3A_76, %add3A_82 : i32
      %lt3A_84 = arith.constant 128 : i32
      %lt3A_85 = arith.cmpi slt, %add3A_83, %lt3A_84 : i32
      %convert_element_type3A_86 = arith.extui %lt3A_85 : i1 to i32
      %cond3A_87 = arith.constant 0 : i32
      %cond3A_88 = arith.cmpi ne, %convert_element_type3A_86, %cond3A_87 : i32
      scf.if %cond3A_88 {
        %add3A_119 = arith.constant 1 : i32
        %add3A_120 = arith.addi %add3A_76, %add3A_119 : i32
        %mul3A_121 = arith.constant 48 : i32
        %mul3A_122 = arith.muli %add3A_120, %mul3A_121 : i32
        %dma_start3A_123 = tpu.memref_slice %arg7[%mul3A_122] : memref<6144xi32, #tpu.memory_space<vmem>> -> memref<48xi32, #tpu.memory_space<vmem>>
        %dma_start3A_124 = arith.constant 0 : i32
        %dma_start3A_125 = arith.constant 0 : i32
        %dma_start3A_126 = tpu.memref_slice %arg3[%dma_start3A_124, %dma_start3A_125] : memref<32x256xf32, #tpu.memory_space<hbm>> -> memref<32x256xf32, #tpu.memory_space<hbm>>
        tpu.enqueue_indirect_dma source(%dma_start3A_126 : memref<32x256xf32, #tpu.memory_space<hbm>>) target(%arg9 : memref<48x256xf32, #tpu.memory_space<vmem>>) offsets(%dma_start3A_123 : memref<48xi32, #tpu.memory_space<vmem>>) semaphore(%arg13 : memref<!tpu.dma_semaphore, #tpu.memory_space<semaphore_mem>>)
      } else {
      }
      %mul3A_89 = arith.constant 48 : i32
      %mul3A_90 = arith.muli %add3A_76, %mul3A_89 : i32
      %dma_wait3A_91 = tpu.memref_slice %arg7[%mul3A_90] : memref<6144xi32, #tpu.memory_space<vmem>> -> memref<48xi32, #tpu.memory_space<vmem>>
      %dma_wait3A_92 = arith.constant 0 : i32
      %dma_wait3A_93 = arith.constant 0 : i32
      %dma_wait3A_94 = tpu.memref_slice %arg3[%dma_wait3A_92, %dma_wait3A_93] : memref<32x256xf32, #tpu.memory_space<hbm>> -> memref<32x256xf32, #tpu.memory_space<hbm>>
      tpu.wait_indirect_dma semaphore(%arg14 : memref<!tpu.dma_semaphore, #tpu.memory_space<semaphore_mem>>) src(%dma_wait3A_94 : memref<32x256xf32, #tpu.memory_space<hbm>>) dst(%arg10 : memref<48x256xf32, #tpu.memory_space<vmem>>)
      %mul3A_95 = arith.constant 48 : i32
      %mul3A_96 = arith.muli %add3A_76, %mul3A_95 : i32
      %add3A_97 = arith.addi %mul3A_2, %mul3A_96 : i32
      %dma_start3A_98 = arith.constant 0 : i32
      %dma_start3A_99 = tpu.memref_slice %arg5[%add3A_97, %dma_start3A_98] : memref<524288x256xf32, #tpu.memory_space<hbm>> -> memref<48x256xf32, #tpu.memory_space<hbm>>
      %dma_start3A_100 = arith.constant 0 : i32
      %dma_start3A_101 = tpu.memref_slice %arg5[%add3A_97, %dma_start3A_100] : memref<524288x256xf32, #tpu.memory_space<hbm>> -> memref<48x256xf32, #tpu.memory_space<hbm>>
      tpu.enqueue_dma source(%arg10 : memref<48x256xf32, #tpu.memory_space<vmem>>) target(%dma_start3A_101 : memref<48x256xf32, #tpu.memory_space<hbm>>) target_semaphore(%arg16 : memref<!tpu.dma_semaphore, #tpu.memory_space<semaphore_mem>>)
      %ge3A_102 = arith.constant 2 : i32
      %ge3A_103 = arith.cmpi sge, %add3A_76, %ge3A_102 : i32
      %convert_element_type3A_104 = arith.extui %ge3A_103 : i1 to i32
      %cond3A_105 = arith.constant 0 : i32
      %cond3A_106 = arith.cmpi ne, %convert_element_type3A_104, %cond3A_105 : i32
      scf.if %cond3A_106 {
        %sub3A = arith.constant 2 : i32
        %sub3A_119 = arith.subi %add3A_76, %sub3A : i32
        %mul3A_120 = arith.constant 80 : i32
        %mul3A_121 = arith.muli %sub3A_119, %mul3A_120 : i32
        %add3A_122 = arith.addi %add3A_4, %mul3A_121 : i32
        %dma_wait3A_123 = arith.constant 0 : i32
        %dma_wait3A_124 = tpu.memref_slice %arg5[%add3A_122, %dma_wait3A_123] : memref<524288x256xf32, #tpu.memory_space<hbm>> -> memref<80x256xf32, #tpu.memory_space<hbm>>
        %dma_wait3A_125 = arith.constant 0 : i32
        %dma_wait3A_126 = tpu.memref_slice %arg5[%add3A_122, %dma_wait3A_125] : memref<524288x256xf32, #tpu.memory_space<hbm>> -> memref<80x256xf32, #tpu.memory_space<hbm>>
        tpu.wait_dma2 semaphore(%arg18 : memref<!tpu.dma_semaphore, #tpu.memory_space<semaphore_mem>>) src(%arg12 : memref<80x256xf32, #tpu.memory_space<vmem>>) dst(%dma_wait3A_126 : memref<80x256xf32, #tpu.memory_space<hbm>>)
      } else {
      }
      %mul3A_107 = arith.constant 80 : i32
      %mul3A_108 = arith.muli %add3A_76, %mul3A_107 : i32
      %parallel_loop3A_109 = arith.constant 0 : i32
      %parallel_loop3A_110 = arith.constant 80 : i32
      %parallel_loop3A_111 = arith.constant 1 : i32
      scf.for %parallel_loop3A_119 = %parallel_loop3A_109 to %parallel_loop3A_110 step %parallel_loop3A_111  : i32 {
        %parallel_loop3A_120 = arith.constant 4 : i32
        %parallel_loop3A_121 = arith.shrsi %parallel_loop3A_119, %parallel_loop3A_120 : i32
        %parallel_loop3A_122 = arith.constant 4 : i32
        %parallel_loop3A_123 = arith.shli %parallel_loop3A_121, %parallel_loop3A_122 : i32
        %parallel_loop3A_124 = arith.addi %mul3A_108, %parallel_loop3A_123 : i32
        %parallel_loop3A_125 = arith.index_cast %parallel_loop3A_124 : i32 to index
        %parallel_loop3A_126 = tpu.vector_load %arg8[%parallel_loop3A_125] {strides = array<i32>} : memref<10240xi32, #tpu.memory_space<vmem>>, vector<16xi32>,
        %parallel_loop3A_127 = arith.constant 15 : i32
        %parallel_loop3A_128 = arith.andi %parallel_loop3A_119, %parallel_loop3A_127 : i32
        %parallel_loop3A_129 = vector.broadcast %parallel_loop3A_128 : i32 to vector<16xi32>
        %parallel_loop3A_130 = vector.shape_cast %parallel_loop3A_129 : vector<16xi32> to vector<16x1xi32>
        %parallel_loop3A_131 = vector.shape_cast %parallel_loop3A_130 : vector<16x1xi32> to vector<16xi32>
        %parallel_loop3A_132 = tpu.dynamic_gather %parallel_loop3A_126[%parallel_loop3A_131] in [0] : vector<16xi32>, vector<16xi32> -> vector<16xi32>
        %parallel_loop3A_133 = vector.extract_strided_slice %parallel_loop3A_132 {offsets = [0], sizes = [1], strides = [1]} : vector<16xi32> to vector<1xi32>
        %parallel_loop3A_134 = vector.extract %parallel_loop3A_133[0] : i32 from vector<1xi32>
        %parallel_loop3A_135 = arith.constant 256 : i32
        %parallel_loop3A_136 = arith.muli %parallel_loop3A_134, %parallel_loop3A_135 : i32
        %parallel_loop3A_137 = arith.constant 0 : i32
        %parallel_loop3A_138 = arith.addi %parallel_loop3A_136, %parallel_loop3A_137 : i32
        %parallel_loop3A_139 = arith.index_cast %parallel_loop3A_138 : i32 to index
        %parallel_loop3A_140 = tpu.vector_load %arg6[%parallel_loop3A_139] {strides = array<i32>} : memref<8192xf32, #tpu.memory_space<vmem>>, vector<16xf32>,
        %parallel_loop3A_141 = arith.index_cast %parallel_loop3A_119 : i32 to index
        %parallel_loop3A_142 = arith.constant 0 : index
        %parallel_loop3A_143 = tpu.vector_load %arg12[%parallel_loop3A_141, %parallel_loop3A_142] {strides = array<i32>} : memref<80x256xf32, #tpu.memory_space<vmem>>, vector<16xf32>,
        tpu.vector_store %arg12[%parallel_loop3A_141, %parallel_loop3A_142], %parallel_loop3A_140 {strides = array<i32>} : memref<80x256xf32, #tpu.memory_space<vmem>>, vector<16xf32>,
        %parallel_loop3A_144 = arith.constant 16 : i32
        %parallel_loop3A_145 = arith.addi %parallel_loop3A_136, %parallel_loop3A_144 : i32
        %parallel_loop3A_146 = arith.index_cast %parallel_loop3A_145 : i32 to index
        %parallel_loop3A_147 = tpu.vector_load %arg6[%parallel_loop3A_146] {strides = array<i32>} : memref<8192xf32, #tpu.memory_space<vmem>>, vector<16xf32>,
        %parallel_loop3A_148 = arith.index_cast %parallel_loop3A_119 : i32 to index
        %parallel_loop3A_149 = arith.constant 16 : index
        %parallel_loop3A_150 = tpu.vector_load %arg12[%parallel_loop3A_148, %parallel_loop3A_149] {strides = array<i32>} : memref<80x256xf32, #tpu.memory_space<vmem>>, vector<16xf32>,
        tpu.vector_store %arg12[%parallel_loop3A_148, %parallel_loop3A_149], %parallel_loop3A_147 {strides = array<i32>} : memref<80x256xf32, #tpu.memory_space<vmem>>, vector<16xf32>,
        %parallel_loop3A_151 = arith.constant 32 : i32
        %parallel_loop3A_152 = arith.addi %parallel_loop3A_136, %parallel_loop3A_151 : i32
        %parallel_loop3A_153 = arith.index_cast %parallel_loop3A_152 : i32 to index
        %parallel_loop3A_154 = tpu.vector_load %arg6[%parallel_loop3A_153] {strides = array<i32>} : memref<8192xf32, #tpu.memory_space<vmem>>, vector<16xf32>,
        %parallel_loop3A_155 = arith.index_cast %parallel_loop3A_119 : i32 to index
        %parallel_loop3A_156 = arith.constant 32 : index
        %parallel_loop3A_157 = tpu.vector_load %arg12[%parallel_loop3A_155, %parallel_loop3A_156] {strides = array<i32>} : memref<80x256xf32, #tpu.memory_space<vmem>>, vector<16xf32>,
        tpu.vector_store %arg12[%parallel_loop3A_155, %parallel_loop3A_156], %parallel_loop3A_154 {strides = array<i32>} : memref<80x256xf32, #tpu.memory_space<vmem>>, vector<16xf32>,
        %parallel_loop3A_158 = arith.constant 48 : i32
        %parallel_loop3A_159 = arith.addi %parallel_loop3A_136, %parallel_loop3A_158 : i32
        %parallel_loop3A_160 = arith.index_cast %parallel_loop3A_159 : i32 to index
        %parallel_loop3A_161 = tpu.vector_load %arg6[%parallel_loop3A_160] {strides = array<i32>} : memref<8192xf32, #tpu.memory_space<vmem>>, vector<16xf32>,
        %parallel_loop3A_162 = arith.index_cast %parallel_loop3A_119 : i32 to index
        %parallel_loop3A_163 = arith.constant 48 : index
        %parallel_loop3A_164 = tpu.vector_load %arg12[%parallel_loop3A_162, %parallel_loop3A_163] {strides = array<i32>} : memref<80x256xf32, #tpu.memory_space<vmem>>, vector<16xf32>,
        tpu.vector_store %arg12[%parallel_loop3A_162, %parallel_loop3A_163], %parallel_loop3A_161 {strides = array<i32>} : memref<80x256xf32, #tpu.memory_space<vmem>>, vector<16xf32>,
        %parallel_loop3A_165 = arith.constant 64 : i32
        %parallel_loop3A_166 = arith.addi %parallel_loop3A_136, %parallel_loop3A_165 : i32
        %parallel_loop3A_167 = arith.index_cast %parallel_loop3A_166 : i32 to index
        %parallel_loop3A_168 = tpu.vector_load %arg6[%parallel_loop3A_167] {strides = array<i32>} : memref<8192xf32, #tpu.memory_space<vmem>>, vector<16xf32>,
        %parallel_loop3A_169 = arith.index_cast %parallel_loop3A_119 : i32 to index
        %parallel_loop3A_170 = arith.constant 64 : index
        %parallel_loop3A_171 = tpu.vector_load %arg12[%parallel_loop3A_169, %parallel_loop3A_170] {strides = array<i32>} : memref<80x256xf32, #tpu.memory_space<vmem>>, vector<16xf32>,
        tpu.vector_store %arg12[%parallel_loop3A_169, %parallel_loop3A_170], %parallel_loop3A_168 {strides = array<i32>} : memref<80x256xf32, #tpu.memory_space<vmem>>, vector<16xf32>,
        %parallel_loop3A_172 = arith.constant 80 : i32
        %parallel_loop3A_173 = arith.addi %parallel_loop3A_136, %parallel_loop3A_172 : i32
        %parallel_loop3A_174 = arith.index_cast %parallel_loop3A_173 : i32 to index
        %parallel_loop3A_175 = tpu.vector_load %arg6[%parallel_loop3A_174] {strides = array<i32>} : memref<8192xf32, #tpu.memory_space<vmem>>, vector<16xf32>,
        %parallel_loop3A_176 = arith.index_cast %parallel_loop3A_119 : i32 to index
        %parallel_loop3A_177 = arith.constant 80 : index
        %parallel_loop3A_178 = tpu.vector_load %arg12[%parallel_loop3A_176, %parallel_loop3A_177] {strides = array<i32>} : memref<80x256xf32, #tpu.memory_space<vmem>>, vector<16xf32>,
        tpu.vector_store %arg12[%parallel_loop3A_176, %parallel_loop3A_177], %parallel_loop3A_175 {strides = array<i32>} : memref<80x256xf32, #tpu.memory_space<vmem>>, vector<16xf32>,
        %parallel_loop3A_179 = arith.constant 96 : i32
        %parallel_loop3A_180 = arith.addi %parallel_loop3A_136, %parallel_loop3A_179 : i32
        %parallel_loop3A_181 = arith.index_cast %parallel_loop3A_180 : i32 to index
        %parallel_loop3A_182 = tpu.vector_load %arg6[%parallel_loop3A_181] {strides = array<i32>} : memref<8192xf32, #tpu.memory_space<vmem>>, vector<16xf32>,
        %parallel_loop3A_183 = arith.index_cast %parallel_loop3A_119 : i32 to index
        %parallel_loop3A_184 = arith.constant 96 : index
        %parallel_loop3A_185 = tpu.vector_load %arg12[%parallel_loop3A_183, %parallel_loop3A_184] {strides = array<i32>} : memref<80x256xf32, #tpu.memory_space<vmem>>, vector<16xf32>,
        tpu.vector_store %arg12[%parallel_loop3A_183, %parallel_loop3A_184], %parallel_loop3A_182 {strides = array<i32>} : memref<80x256xf32, #tpu.memory_space<vmem>>, vector<16xf32>,
        %parallel_loop3A_186 = arith.constant 112 : i32
        %parallel_loop3A_187 = arith.addi %parallel_loop3A_136, %parallel_loop3A_186 : i32
        %parallel_loop3A_188 = arith.index_cast %parallel_loop3A_187 : i32 to index
        %parallel_loop3A_189 = tpu.vector_load %arg6[%parallel_loop3A_188] {strides = array<i32>} : memref<8192xf32, #tpu.memory_space<vmem>>, vector<16xf32>,
        %parallel_loop3A_190 = arith.index_cast %parallel_loop3A_119 : i32 to index
        %parallel_loop3A_191 = arith.constant 112 : index
        %parallel_loop3A_192 = tpu.vector_load %arg12[%parallel_loop3A_190, %parallel_loop3A_191] {strides = array<i32>} : memref<80x256xf32, #tpu.memory_space<vmem>>, vector<16xf32>,
        tpu.vector_store %arg12[%parallel_loop3A_190, %parallel_loop3A_191], %parallel_loop3A_189 {strides = array<i32>} : memref<80x256xf32, #tpu.memory_space<vmem>>, vector<16xf32>,
        %parallel_loop3A_193 = arith.constant 128 : i32
        %parallel_loop3A_194 = arith.addi %parallel_loop3A_136, %parallel_loop3A_193 : i32
        %parallel_loop3A_195 = arith.index_cast %parallel_loop3A_194 : i32 to index
        %parallel_loop3A_196 = tpu.vector_load %arg6[%parallel_loop3A_195] {strides = array<i32>} : memref<8192xf32, #tpu.memory_space<vmem>>, vector<16xf32>,
        %parallel_loop3A_197 = arith.index_cast %parallel_loop3A_119 : i32 to index
        %parallel_loop3A_198 = arith.constant 128 : index
        %parallel_loop3A_199 = tpu.vector_load %arg12[%parallel_loop3A_197, %parallel_loop3A_198] {strides = array<i32>} : memref<80x256xf32, #tpu.memory_space<vmem>>, vector<16xf32>,
        tpu.vector_store %arg12[%parallel_loop3A_197, %parallel_loop3A_198], %parallel_loop3A_196 {strides = array<i32>} : memref<80x256xf32, #tpu.memory_space<vmem>>, vector<16xf32>,
        %parallel_loop3A_200 = arith.constant 144 : i32
        %parallel_loop3A_201 = arith.addi %parallel_loop3A_136, %parallel_loop3A_200 : i32
        %parallel_loop3A_202 = arith.index_cast %parallel_loop3A_201 : i32 to index
        %parallel_loop3A_203 = tpu.vector_load %arg6[%parallel_loop3A_202] {strides = array<i32>} : memref<8192xf32, #tpu.memory_space<vmem>>, vector<16xf32>,
        %parallel_loop3A_204 = arith.index_cast %parallel_loop3A_119 : i32 to index
        %parallel_loop3A_205 = arith.constant 144 : index
        %parallel_loop3A_206 = tpu.vector_load %arg12[%parallel_loop3A_204, %parallel_loop3A_205] {strides = array<i32>} : memref<80x256xf32, #tpu.memory_space<vmem>>, vector<16xf32>,
        tpu.vector_store %arg12[%parallel_loop3A_204, %parallel_loop3A_205], %parallel_loop3A_203 {strides = array<i32>} : memref<80x256xf32, #tpu.memory_space<vmem>>, vector<16xf32>,
        %parallel_loop3A_207 = arith.constant 160 : i32
        %parallel_loop3A_208 = arith.addi %parallel_loop3A_136, %parallel_loop3A_207 : i32
        %parallel_loop3A_209 = arith.index_cast %parallel_loop3A_208 : i32 to index
        %parallel_loop3A_210 = tpu.vector_load %arg6[%parallel_loop3A_209] {strides = array<i32>} : memref<8192xf32, #tpu.memory_space<vmem>>, vector<16xf32>,
        %parallel_loop3A_211 = arith.index_cast %parallel_loop3A_119 : i32 to index
        %parallel_loop3A_212 = arith.constant 160 : index
        %parallel_loop3A_213 = tpu.vector_load %arg12[%parallel_loop3A_211, %parallel_loop3A_212] {strides = array<i32>} : memref<80x256xf32, #tpu.memory_space<vmem>>, vector<16xf32>,
        tpu.vector_store %arg12[%parallel_loop3A_211, %parallel_loop3A_212], %parallel_loop3A_210 {strides = array<i32>} : memref<80x256xf32, #tpu.memory_space<vmem>>, vector<16xf32>,
        %parallel_loop3A_214 = arith.constant 176 : i32
        %parallel_loop3A_215 = arith.addi %parallel_loop3A_136, %parallel_loop3A_214 : i32
        %parallel_loop3A_216 = arith.index_cast %parallel_loop3A_215 : i32 to index
        %parallel_loop3A_217 = tpu.vector_load %arg6[%parallel_loop3A_216] {strides = array<i32>} : memref<8192xf32, #tpu.memory_space<vmem>>, vector<16xf32>,
        %parallel_loop3A_218 = arith.index_cast %parallel_loop3A_119 : i32 to index
        %parallel_loop3A_219 = arith.constant 176 : index
        %parallel_loop3A_220 = tpu.vector_load %arg12[%parallel_loop3A_218, %parallel_loop3A_219] {strides = array<i32>} : memref<80x256xf32, #tpu.memory_space<vmem>>, vector<16xf32>,
        tpu.vector_store %arg12[%parallel_loop3A_218, %parallel_loop3A_219], %parallel_loop3A_217 {strides = array<i32>} : memref<80x256xf32, #tpu.memory_space<vmem>>, vector<16xf32>,
        %parallel_loop3A_221 = arith.constant 192 : i32
        %parallel_loop3A_222 = arith.addi %parallel_loop3A_136, %parallel_loop3A_221 : i32
        %parallel_loop3A_223 = arith.index_cast %parallel_loop3A_222 : i32 to index
        %parallel_loop3A_224 = tpu.vector_load %arg6[%parallel_loop3A_223] {strides = array<i32>} : memref<8192xf32, #tpu.memory_space<vmem>>, vector<16xf32>,
        %parallel_loop3A_225 = arith.index_cast %parallel_loop3A_119 : i32 to index
        %parallel_loop3A_226 = arith.constant 192 : index
        %parallel_loop3A_227 = tpu.vector_load %arg12[%parallel_loop3A_225, %parallel_loop3A_226] {strides = array<i32>} : memref<80x256xf32, #tpu.memory_space<vmem>>, vector<16xf32>,
        tpu.vector_store %arg12[%parallel_loop3A_225, %parallel_loop3A_226], %parallel_loop3A_224 {strides = array<i32>} : memref<80x256xf32, #tpu.memory_space<vmem>>, vector<16xf32>,
        %parallel_loop3A_228 = arith.constant 208 : i32
        %parallel_loop3A_229 = arith.addi %parallel_loop3A_136, %parallel_loop3A_228 : i32
        %parallel_loop3A_230 = arith.index_cast %parallel_loop3A_229 : i32 to index
        %parallel_loop3A_231 = tpu.vector_load %arg6[%parallel_loop3A_230] {strides = array<i32>} : memref<8192xf32, #tpu.memory_space<vmem>>, vector<16xf32>,
        %parallel_loop3A_232 = arith.index_cast %parallel_loop3A_119 : i32 to index
        %parallel_loop3A_233 = arith.constant 208 : index
        %parallel_loop3A_234 = tpu.vector_load %arg12[%parallel_loop3A_232, %parallel_loop3A_233] {strides = array<i32>} : memref<80x256xf32, #tpu.memory_space<vmem>>, vector<16xf32>,
        tpu.vector_store %arg12[%parallel_loop3A_232, %parallel_loop3A_233], %parallel_loop3A_231 {strides = array<i32>} : memref<80x256xf32, #tpu.memory_space<vmem>>, vector<16xf32>,
        %parallel_loop3A_235 = arith.constant 224 : i32
        %parallel_loop3A_236 = arith.addi %parallel_loop3A_136, %parallel_loop3A_235 : i32
        %parallel_loop3A_237 = arith.index_cast %parallel_loop3A_236 : i32 to index
        %parallel_loop3A_238 = tpu.vector_load %arg6[%parallel_loop3A_237] {strides = array<i32>} : memref<8192xf32, #tpu.memory_space<vmem>>, vector<16xf32>,
        %parallel_loop3A_239 = arith.index_cast %parallel_loop3A_119 : i32 to index
        %parallel_loop3A_240 = arith.constant 224 : index
        %parallel_loop3A_241 = tpu.vector_load %arg12[%parallel_loop3A_239, %parallel_loop3A_240] {strides = array<i32>} : memref<80x256xf32, #tpu.memory_space<vmem>>, vector<16xf32>,
        tpu.vector_store %arg12[%parallel_loop3A_239, %parallel_loop3A_240], %parallel_loop3A_238 {strides = array<i32>} : memref<80x256xf32, #tpu.memory_space<vmem>>, vector<16xf32>,
        %parallel_loop3A_242 = arith.constant 240 : i32
        %parallel_loop3A_243 = arith.addi %parallel_loop3A_136, %parallel_loop3A_242 : i32
        %parallel_loop3A_244 = arith.index_cast %parallel_loop3A_243 : i32 to index
        %parallel_loop3A_245 = tpu.vector_load %arg6[%parallel_loop3A_244] {strides = array<i32>} : memref<8192xf32, #tpu.memory_space<vmem>>, vector<16xf32>,
        %parallel_loop3A_246 = arith.index_cast %parallel_loop3A_119 : i32 to index
        %parallel_loop3A_247 = arith.constant 240 : index
        %parallel_loop3A_248 = tpu.vector_load %arg12[%parallel_loop3A_246, %parallel_loop3A_247] {strides = array<i32>} : memref<80x256xf32, #tpu.memory_space<vmem>>, vector<16xf32>,
        tpu.vector_store %arg12[%parallel_loop3A_246, %parallel_loop3A_247], %parallel_loop3A_245 {strides = array<i32>} : memref<80x256xf32, #tpu.memory_space<vmem>>, vector<16xf32>,
      } {sc.loop_unroll_factor = 4 : i64, sc.parallel_access}
      %mul3A_112 = arith.constant 80 : i32
      %mul3A_113 = arith.muli %add3A_76, %mul3A_112 : i32
      %add3A_114 = arith.addi %add3A_4, %mul3A_113 : i32
      %dma_start3A_115 = arith.constant 0 : i32
      %dma_start3A_116 = tpu.memref_slice %arg5[%add3A_114, %dma_start3A_115] : memref<524288x256xf32, #tpu.memory_space<hbm>> -> memref<80x256xf32, #tpu.memory_space<hbm>>
      %dma_start3A_117 = arith.constant 0 : i32
      %dma_start3A_118 = tpu.memref_slice %arg5[%add3A_114, %dma_start3A_117] : memref<524288x256xf32, #tpu.memory_space<hbm>> -> memref<80x256xf32, #tpu.memory_space<hbm>>
      tpu.enqueue_dma source(%arg12 : memref<80x256xf32, #tpu.memory_space<vmem>>) target(%dma_start3A_118 : memref<80x256xf32, #tpu.memory_space<hbm>>) target_semaphore(%arg18 : memref<!tpu.dma_semaphore, #tpu.memory_space<semaphore_mem>>)
    }
    %scan3A_13 = arith.constant 64 : i32
    %add3A_14 = arith.constant 6096 : i32
    %add3A_15 = arith.addi %mul3A_2, %add3A_14 : i32
    %dma_wait3A = arith.constant 0 : i32
    %dma_wait3A_16 = tpu.memref_slice %arg5[%add3A_15, %dma_wait3A] : memref<524288x256xf32, #tpu.memory_space<hbm>> -> memref<48x256xf32, #tpu.memory_space<hbm>>
    %dma_wait3A_17 = arith.constant 0 : i32
    %dma_wait3A_18 = tpu.memref_slice %arg5[%add3A_15, %dma_wait3A_17] : memref<524288x256xf32, #tpu.memory_space<hbm>> -> memref<48x256xf32, #tpu.memory_space<hbm>>
    tpu.wait_dma2 semaphore(%arg16 : memref<!tpu.dma_semaphore, #tpu.memory_space<semaphore_mem>>) src(%arg10 : memref<48x256xf32, #tpu.memory_space<vmem>>) dst(%dma_wait3A_18 : memref<48x256xf32, #tpu.memory_space<hbm>>)
    %add3A_19 = arith.constant 10080 : i32
    %add3A_20 = arith.addi %add3A_4, %add3A_19 : i32
    %dma_wait3A_21 = arith.constant 0 : i32
    %dma_wait3A_22 = tpu.memref_slice %arg5[%add3A_20, %dma_wait3A_21] : memref<524288x256xf32, #tpu.memory_space<hbm>> -> memref<80x256xf32, #tpu.memory_space<hbm>>
    %dma_wait3A_23 = arith.constant 0 : i32
    %dma_wait3A_24 = tpu.memref_slice %arg5[%add3A_20, %dma_wait3A_23] : memref<524288x256xf32, #tpu.memory_space<hbm>> -> memref<80x256xf32, #tpu.memory_space<hbm>>
    tpu.wait_dma2 semaphore(%arg17 : memref<!tpu.dma_semaphore, #tpu.memory_space<semaphore_mem>>) src(%arg11 : memref<80x256xf32, #tpu.memory_space<vmem>>) dst(%dma_wait3A_24 : memref<80x256xf32, #tpu.memory_space<hbm>>)
    %add3A_25 = arith.constant 10160 : i32
    %add3A_26 = arith.addi %add3A_4, %add3A_25 : i32
    %dma_wait3A_27 = arith.constant 0 : i32
    %dma_wait3A_28 = tpu.memref_slice %arg5[%add3A_26, %dma_wait3A_27] : memref<524288x256xf32, #tpu.memory_space<hbm>> -> memref<80x256xf32, #tpu.memory_space<hbm>>
    %dma_wait3A_29 = arith.constant 0 : i32
    %dma_wait3A_30 = tpu.memref_slice %arg5[%add3A_26, %dma_wait3A_29] : memref<524288x256xf32, #tpu.memory_space<hbm>> -> memref<80x256xf32, #tpu.memory_space<hbm>>
    tpu.wait_dma2 semaphore(%arg18 : memref<!tpu.dma_semaphore, #tpu.memory_space<semaphore_mem>>) src(%arg12 : memref<80x256xf32, #tpu.memory_space<vmem>>) dst(%dma_wait3A_30 : memref<80x256xf32, #tpu.memory_space<hbm>>)
    return
  }
}

</mosaic_0001>

<sc_bundles>
// kernel: kernel.3.cloned.1.call-start
scs
__scs_entry_jumppad:
0x0: {  	(pc) =	sbr.rel $0x88, $3  }
0x1: {  	(tag) =	ssettag $0x0;
	lr =	simm.s32 $0x1  }
0x2: {  	[smem:$0x3F9F] =	sst lr;
	_ =	strace $0xD0000000  }
0x3: {  	_ = 	snop  }
0x4: {  	_ = 	snop  }
0x5: {  	_ = 	snop  }
0x6: {  	_ = 	snop  }
0x7: {  	_ = 	snop  }
__scs_overlays_trampoline_lowered:
0x8: {  	[smem:$0x3FAE] =	sst s0  }
0x9: {  	[smem:$0x3FAF] =	sst s1  }
0xa: {  	[smem:$0x3FB0] =	sst s2  }
0xb: {  	[smem:$0x3FB1] =	sst s3  }
0xc: {  	[smem:$0x3FB2] =	sst s4  }
0xd: {  	[smem:$0x3FB3] =	sst s5  }
0xe: {  	[smem:$0x3FB4] =	sst s6  }
0xf: {  	[smem:$0x3FB5] =	sst s7  }
0x10: {  	[smem:$0x3FB6] =	sst s8  }
0x11: {  	[smem:$0x3FB7] =	sst s9;
	s0 =	simm.s32 @!p0 $0x0  }
0x12: {  	s1 =	sld [smem:$0x3F9D];
	s0 =	simm.s32 @p0 $0x1  }
0x13: {  	[smem:$0x3FB8] =	sst s0;
	s0 =	simm.s32 @!p1 $0x0  }
0x14: {  	s2 =	sld [smem:$0x3F9C];
	s0 =	simm.s32 @p1 $0x1  }
0x15: {  	[smem:$0x3FB9] =	sst s0;
	s0 =	simm.s32 @!p2 $0x0  }
0x16: {  	s3 =	sld [smem:$0x3FDB];
	s0 =	simm.s32 @p2 $0x1  }
0x17: {  	s4 =	simm.s32 $0x1BF5;
	[smem:$0x3FBB] =	sst s0  }
0x18: {  	s0 =	sld [smem:$0x3F9E];
	_ =	swait.ge [sflag:s4], $0x0  }
0x19: {  	s7 =	sld [smem:$0x3F9F]  }
0x1a: {  	s8 =	sadd.s32 $0xFFFFE003, lr  }
0x1b: {  	s9 =	sadd.s32 $0xFFFFFEF7, lr;
	s5 =	simm.s32 $0xFFFFFFFF;
	p2 =	slt.u32 s8, $0xFFFFF086  }
0x1c: {  	p1 =	slt.u32 s9, $0xF7A;
	s5 =	simm.s32 @!p2 $0x0  }
0x1d: {  	s5 =	simm.s32 @p1 $0x1;
	p0 =	seq.s32 s7, s2  }
0x1e: {  	s7 =	smul.u32 @!p0 $0xF7A, s2;
	p2 =	seq.s32 @!p0 s5, $0x0  }
0x1f: {  	s9 =	smul.u32 $0xF7A, s1;
	s8 =	simm.s32 @!p0 $0x1BF5;
	p2 =	por !p2, p0  }
0x20: {  	[sflag:s8] =	ssyncset.s32 @!p0 $0xFFFFF086;
	s6 =	sadd.s32 @!p0 s3, s7;
	s7 =	simm.s32 @!p0 $0x108  }
0x21: {  	s3 =	sadd.s32 s3, s9;
	s6 =	sadd.s32 @!p0 $0x88, s6;
	s7 =	simm.s32 @p2 $0x1082  }
0x22: {  	[simem:s7], [sflag:s8] =	dma.local @!p0 [hbm:s6], $0xF7A  }
0x23: {  	s9 =	sor.u32 $0xD0000000, s2;
	s6 =	simm.s32 $0x108;
	_ =	swait.ge @!p0 [sflag:s8], $0x0  }
0x24: {  	s3 =	sadd.s32 $0x88, s3;
	s6 =	simm.s32 @!p1 $0x1082;
	[sflag:s4] =	ssyncset.s32 $0xFFFFF086  }
0x25: {  	[simem:s6], [sflag:s4] =	dma.local [hbm:s3], $0xF7A  }
0x26: {  	[smem:$0x3F9F] =	sst s1;
	(tag) =	ssettag s2;
	_ =	strace s9  }
0x27: {  	s1 =	sld [smem:$0x3FAF]  }
0x28: {  	s2 =	sld [smem:$0x3FB0]  }
0x29: {  	s4 =	sld [smem:$0x3FB2]  }
0x2a: {  	p0 =	seq.s32 s5, $0x0;
	s5 =	sld [smem:$0x3FB3]  }
0x2b: {  	s6 =	sld [smem:$0x3FB4]  }
0x2c: {  	s7 =	sld [smem:$0x3FB5]  }
0x2d: {  	s3 =	simm.s32 $0x108;
	s8 =	sld [smem:$0x3FB6]  }
0x2e: {  	s3 =	simm.s32 @!p0 $0x1082;
	s9 =	sld [smem:$0x3FB7]  }
0x2f: {  	lr =	sadd.s32 s0, s3;
	s0 =	sld [smem:$0x3FAE]  }
0x30: {  	s3 =	sld [smem:$0x3FB1]  }
0x31: {  	[smem:$0x3FBA] =	sst s10  }
0x32: {  	s10 =	sld [smem:$0x3FB8];
	_ =	sdelay $0x3  }
0x33: {  	p0 =	seq.s32 s10, $0x1;
	s10 =	sld [smem:$0x3FBA];
	_ =	sdelay $0x3  }
0x34: {  	[smem:$0x3FBA] =	sst s10  }
0x35: {  	s10 =	sld [smem:$0x3FB9];
	_ =	sdelay $0x3  }
0x36: {  	p1 =	seq.s32 s10, $0x1;
	s10 =	sld [smem:$0x3FBA];
	_ =	sdelay $0x3  }
0x37: {  	[smem:$0x3FBA] =	sst s10  }
0x38: {  	s10 =	sld [smem:$0x3FBB]  }
0x39: {  	_ = 	snop;
	(pc) =	sbr.ind lr, $3  }
0x3a: {  	_ = 	snop  }
0x3b: {  	_ = 	snop  }
0x3c: {  	p2 =	seq.s32 s10, $0x1;
	s10 =	sld [smem:$0x3FBA]  }
0x3d: {  	_ =	shalt  }
0x3e: {  	_ =	shalt  }
0x3f: {  	_ =	shalt  }
0x40: {  	_ =	shalt  }
0x41: {  	_ =	shalt  }
0x42: {  	_ =	shalt  }
0x43: {  	_ =	shalt  }
0x44: {  	_ =	shalt  }
0x45: {  	_ =	shalt  }
0x46: {  	_ =	shalt  }
0x47: {  	_ =	shalt  }
0x48: {  	_ =	shalt  }
0x49: {  	_ =	shalt  }
0x4a: {  	_ =	shalt  }
0x4b: {  	_ =	shalt  }
0x4c: {  	_ =	shalt  }
0x4d: {  	_ =	shalt  }
0x4e: {  	_ =	shalt  }
0x4f: {  	_ =	shalt  }
0x50: {  	_ =	shalt  }
0x51: {  	_ =	shalt  }
0x52: {  	_ =	shalt  }
0x53: {  	_ =	shalt  }
0x54: {  	_ =	shalt  }
0x55: {  	_ =	shalt  }
0x56: {  	_ =	shalt  }
0x57: {  	_ =	shalt  }
0x58: {  	_ =	shalt  }
0x59: {  	_ =	shalt  }
0x5a: {  	_ =	shalt  }
0x5b: {  	_ =	shalt  }
0x5c: {  	_ =	shalt  }
0x5d: {  	_ =	shalt  }
0x5e: {  	_ =	shalt  }
0x5f: {  	_ =	shalt  }
0x60: {  	_ =	shalt  }
0x61: {  	_ =	shalt  }
0x62: {  	_ =	shalt  }
0x63: {  	_ =	shalt  }
0x64: {  	_ =	shalt  }
0x65: {  	_ =	shalt  }
0x66: {  	_ =	shalt  }
0x67: {  	_ =	shalt  }
0x68: {  	_ =	shalt  }
0x69: {  	_ =	shalt  }
0x6a: {  	_ =	shalt  }
0x6b: {  	_ =	shalt  }
0x6c: {  	_ =	shalt  }
0x6d: {  	_ =	shalt  }
0x6e: {  	_ =	shalt  }
0x6f: {  	_ =	shalt  }
0x70: {  	_ =	shalt  }
0x71: {  	_ =	shalt  }
0x72: {  	_ =	shalt  }
0x73: {  	_ =	shalt  }
0x74: {  	_ =	shalt  }
0x75: {  	_ =	shalt  }
0x76: {  	_ =	shalt  }
0x77: {  	_ =	shalt  }
0x78: {  	_ =	shalt  }
0x79: {  	_ =	shalt  }
0x7a: {  	_ =	shalt  }
0x7b: {  	_ =	shalt  }
0x7c: {  	_ =	shalt  }
0x7d: {  	_ =	shalt  }
0x7e: {  	_ =	shalt  }
0x7f: {  	_ =	shalt  }
0x80: {  	_ =	shalt  }
0x81: {  	_ =	shalt  }
0x82: {  	_ =	shalt  }
0x83: {  	_ =	shalt  }
0x84: {  	_ =	shalt  }
0x85: {  	_ =	shalt  }
0x86: {  	_ =	shalt  }
0x87: {  	_ =	shalt  }
.Lfunc_end0:
.L_simem_size_0:
called_computation_lowered:
.L_overlay_start_0:
0x88: {  	s2 =	sld [smem:$0x3FD9]  }
0x89: {  	s3 =	sld [smem:$0x3FFE];
	_ =	sdelay $0x1  }
0x8a: {  	s1 =	srdreg.scid  }
0x8b: {  	s0 =	sand.u32 $0x1, s1  }
0x8c: {  	s17 =	sshll.u32 s0, $0xA;
	s2 =	sadd.s32 s3, s2  }
0x8d: {  	s2 =	sadd.s32 s2, s17  }
0x8e: {  	[smem:$0x3FC6] =	sst s2  }
0x8f: {  	_ = 	snop  }
0x90: {  	s2 =	sld [smem:$0x3FC8]  }
0x91: {  	s18 =	sld [smem:$0x3FD0];
	(tm) =	ssettm $0x1  }
0x92: {  	s4 =	sld [smem:$0x3FFB];
	_ =	sdelay $0x3  }
0x93: {  	_ =	strace s4  }
0x94: {  	s4 =	sld [smem:$0x3FFC];
	_ =	sdelay $0x3  }
0x95: {  	_ =	strace s4  }
0x96: {  	s4 =	sld [smem:$0x3FFD];
	_ =	sdelay $0x3  }
0x97: {  	_ =	strace s4  }
0x98: {  	_ =	strace $0x8FFFFFFF  }
0x99: {  	s19 =	sld [smem:$0x3FDB];
	_ =	sdelay $0x1  }
0x9a: {  	s5 =	simm.s32 $_scs_section_size  }
0x9b: {  	s6 =	simm.s32 $_size__tile_overlayer_lowered;
	s7 =	simm.s32 $_tile_overlayer_lowered  }
0x9c: {  	s22 =	simm.s32 $0x1BFF;
	s21 =	sshll.u32 s7, $0x1;
	s4 =	sadd.s32 s5, s19  }
0x9d: {  	s8 =	simm.s32 $0x0;
	s20 =	sshll.u32 s6, $0x1;
	s6 =	sadd.s32 s21, s4  }
0x9e: {  	[timem:s8], [sflag:s22] =	dma.local [hbm:s6], s20  }
0x9f: {  	_ =	swait.ge [sflag:s22], s20  }
0xa0: {  	s5 =	ssub.s32 $0x0, s20;
	[sflag:s22] =	ssyncset.done $0x0  }
0xa1: {  	[sflag:s22] =	ssyncadd.s32 s5;
	_ =	sdelay $0x1  }
0xa2: {  	s23 =	simm.s32 $0x1B8B  }
0xa3: {  	_ =	swait.ge [sflag:s23], $0x1  }
0xa4: {  	[sflag:s23] =	ssyncset.done $0x0  }
0xa5: {  	s25 =	simm.s32 $0x1B8E;
	s24 =	sld [smem:$0x3FFE];
	[sflag:s23] =	ssyncadd.s32 $0xFFFFFFFF  }
0xa6: {  	s26 =	simm.s32 $execute0_lowered;
	[smem:$0x3FD2] =	sst s25  }
0xa7: {  	s6 =	sshll.u32 s26, $0x1;
	_ =	strace $0x80000046;
	[dreg:$0x1] =	wrdreg $0xFFFFFFFF  }
0xa8: {  	s28 =	simm.s32 $_size_execute0_lowered;
	s4 =	sadd.s32 s4, s6;
	[dreg:$0x0] =	wrdreg $0x0  }
0xa9: {  	s6 =	sshll.u32 s28, $0x1;
	[dreg:$0x2] =	wrdreg s4  }
0xaa: {  	[dreg:$0x3] =	wrdreg s6  }
0xab: {  	[dreg:$0x4] =	wrdreg $0xC0  }
0xac: {  	_ =	task [dreg:s8], $0x5FFFF  }
0xad: {  	[dreg:$0x1] =	wrdreg $0xFFFFFFFF  }
0xae: {  	[dreg:$0x0] =	wrdreg $0x60  }
0xaf: {  	[dreg:$0x2] =	wrdreg s24  }
0xb0: {  	[dreg:$0x3] =	wrdreg s2  }
0xb1: {  	[dreg:$0x4] =	wrdreg s18  }
0xb2: {  	[dreg:$0x5] =	wrdreg $0x9  }
0xb3: {  	_ =	task.clear_ibuf [dreg:s8], $0x6FFFF;
	_ =	strace $0x90000046  }
0xb4: {  	s29 =	simm.s32 $0x9;
	_ =	strace $0x80000048  }
0xb5: {  	_ =	swait.ge [sflag:s29], $0x1  }
0xb6: {  	[sflag:s29] =	ssyncadd.s32 $0xFFFFFFFF  }
0xb7: {  	_ =	strace $0x90000048  }
0xb8: {  	_ =	sfence  }
0xb9: {  	s30 =	sld [smem:$0x0];
	_ =	sdelay $0x2  }
0xba: {  	s31 =	sshll.u32 s1, $0xD;
	s1 =	sshrl.u32 s1, $0x2  }
0xbb: {  	s3 =	sand.u32 $0x4000, s31;
	s1 =	sadd.s32 s1, s30  }
0xbc: {  	s0 =	sor.u32 s3, s0;
	s1 =	sshll.u32 s1, $0x11  }
0xbd: {  	s0 =	sor.u32 s1, s0  }
0xbe: {  	s0 =	sadd.s32 $0x8F2B, s0  }
0xbf: {  	[sflag:s0] =	ssyncadd.remote.s32 $0x1  }
0xc0: {  	_ =	sfence.sel $0xFFFF  }
0xc1: {  	[dreg:$0x0] =	wrdreg $0xFFFFFFFF;
	(pc) =	sbr.abs _section_cstart, $3  }
0xc2: {  	[dreg:$0x1] =	wrdreg $0xFFFFFFFF  }
0xc3: {  	_ =	task.clear_ibuf [dreg:s8], $0x2FFFF;
	_ =	strace $0x9FFFFFFF  }
0xc4: {  	(tm) =	ssettm $0x7FFFFFFF  }
0xc5: {  	_ =	shalt  }
tec
execute0_lowered:
.L_overlay_start_1:
0x0: {  	(tag) =	ssettag $0x1  }
0x1: {  	s0 =	rddreg [dreg:$0x0]  }
0x2: {  	s30 =	rddreg [dreg:$0x1]  }
0x3: {  	s1 =	rddreg [dreg:$0x2];
	s4 =	simm.s32 $0x0;
	s2 =	srdreg.scid  }
0x4: {  	s3 =	stileid.u32;
	[smem:$0x7FF] =	sst s4;
	s2 =	sand.u32 $0x1, s2  }
0x5: {  	s3 =	sshll.u32 s3, $0xF;
	s6 =	sadd.s32 $0x800, s0;
	s0 =	sadd.s32 $0x400, s0  }
0x6: {  	_ =	strace $0x80000047;
	s5 =	sshll.u32 s2, $0xE;
	s2 =	ssub.s32 $0x2, s2  }
0x7: {  	[dreg:$0x5] =	wrdreg s0;
	s3 =	sor.u32 s5, s3;
	s26 =	sshrl.u32 s2, $0x1  }
0x8: {  	s5 =	sor.u32 $0x1800, s3;
	[dreg:$0x4] =	wrdreg s3;
	s28 =	sshrl.u32 s3, $0x3  }
0x9: {  	s0 =	ssub.s32 s2, s26;
	[dreg:$0x6] =	wrdreg s5;
	s2 =	sadd.s32 s6, s28  }
0xa: {  	v2 =	vlaneseq.u32;
	s29 =	sshrl.u32 s5, $0x3;
	s0 =	smax.u32 s0, $0x1;
	[dreg:$0x7] =	wrdreg s2  }
0xb: {  	vm0 =	vmmov $0xffff;
	v1 =	vshrl.u32 v2, $0x3;
	s31 =	sadd.s32 s6, s29;
	[dreg:$0x9] =	wrdreg s0  }
0xc: {  	v0 =	vand.u32 $0x7, v2;
	v2 =	vor.u32 $0x8, v2;
	v1 =	vmul.u32 $0x8, v1;
	s3 =	simm.s32 $0x0;
	[dreg:$0x8] =	wrdreg s31  }
.LBB2_1:
0xd: {  	[dreg:$0xa] =	wrdreg s3  }
0xe: {  	s0 =	rddreg [dreg:$0x5];
	s2 =	simm.s32 $0x7  }
0xf: {  	[tilespmem:s4], [sflag:$0x7] =	stream.linear.gather [hbm4b:s0+s4], $0x2000, $0x38;
	[tilespmem:$0x16000] =	vst v63  }
0x10: {  	_ =	swait.ge [sflag:s2], $0x2000  }
0x11: {  	[sflag:s2] =	ssyncset.done $0x0  }
0x12: {  	s21 =	simm.s32 $0x2000;
	s20 =	rddreg [dreg:$0x7];
	[sflag:s2] =	ssyncadd.s32 $0xFFFFE000  }
0x13: {  	[tilespmem:s21], [sflag:$0x7] =	stream.linear.gather [hbm4b:s20+s4], $0x1800, $0x38;
	[tilespmem:$0x16000] =	vst v63  }
0x14: {  	_ =	swait.ge [sflag:s2], $0x1800  }
0x15: {  	[sflag:s2] =	ssyncset.done $0x0  }
0x16: {  	s23 =	simm.s32 $0x3800;
	s22 =	rddreg [dreg:$0x8];
	[sflag:s2] =	ssyncadd.s32 $0xFFFFE800  }
0x17: {  	[tilespmem:s23], [sflag:$0x7] =	stream.linear.gather [hbm4b:s22+s4], $0x2800, $0x38;
	[tilespmem:$0x16000] =	vst v63  }
0x18: {  	_ =	swait.ge [sflag:s2], $0x2800  }
0x19: {  	[sflag:s2] =	ssyncset.done $0x0  }
0x1a: {  	[sflag:s2] =	ssyncadd.s32 $0xFFFFD800  }
0x1b: {  	v3 =	vld [tilespmem:$0x2000];
	_ =	sdelay $0x4  }
0x1c: {  	v4 =	vshll.u32 v3, $0x1  }
0x1d: {  	v3 =	vand.u32 $0x7, v3;
	v4 =	vand.u32 $0xFFFFFFF0, v4  }
0x1e: {  	v3 =	vor.u32 v3, v4  }
0x1f: {  	v4 =	vperm.xlane v3, v0;
	_ =	sdelay $0x1  }
0x20: {  	v3 =	vperm.xlane v3, v2;
	v4 =	vadd.s32 v1, v4;
	_ =	sdelay $0x1  }
0x21: {  	v3 =	vadd.s32 v1, v3;
	_ =	sdelay $0x1  }
0x22: {  	s24 =	simm.s32 $0x6000  }
0x23: {  	[tilespmem:s24], [sflag:$0x1] =	stream.indirect_vreg.gather [hbm4b:s30+s4], $0x80, v4, vm0, $0xb8;
	[tilespmem:$0x16000] =	vst v63  }
0x24: {  	s25 =	simm.s32 $0x6800  }
0x25: {  	[tilespmem:s25], [sflag:$0x1] =	stream.indirect_vreg.gather [hbm4b:s30+s4], $0x80, v3, vm0, $0xb8;
	[tilespmem:$0x16000] =	vst v63  }
0x26: {  	v3 =	vld [tilespmem:$0x2010];
	_ =	sdelay $0x4  }
0x27: {  	v62 =	vshll.u32 v3, $0x1  }
0x28: {  	v3 =	vand.u32 $0x7, v3;
	v4 =	vand.u32 $0xFFFFFFF0, v62  }
0x29: {  	v3 =	vor.u32 v3, v4  }
0x2a: {  	v4 =	vperm.xlane v3, v0;
	_ =	sdelay $0x1  }
0x2b: {  	v3 =	vperm.xlane v3, v2;
	v4 =	vadd.s32 v1, v4;
	_ =	sdelay $0x1  }
0x2c: {  	v3 =	vadd.s32 v1, v3;
	_ =	sdelay $0x1  }
0x2d: {  	s26 =	simm.s32 $0x7000  }
0x2e: {  	[tilespmem:s26], [sflag:$0x1] =	stream.indirect_vreg.gather [hbm4b:s30+s4], $0x80, v4, vm0, $0xb8;
	[tilespmem:$0x16000] =	vst v63  }
0x2f: {  	s28 =	simm.s32 $0x7800  }
0x30: {  	[tilespmem:s28], [sflag:$0x1] =	stream.indirect_vreg.gather [hbm4b:s30+s4], $0x80, v3, vm0, $0xb8;
	[tilespmem:$0x16000] =	vst v63  }
0x31: {  	v3 =	vld [tilespmem:$0x2020];
	_ =	sdelay $0x4  }
0x32: {  	v63 =	vshll.u32 v3, $0x1  }
0x33: {  	v3 =	vand.u32 $0x7, v3;
	v4 =	vand.u32 $0xFFFFFFF0, v63  }
0x34: {  	v3 =	vor.u32 v3, v4  }
0x35: {  	v4 =	vperm.xlane v3, v0;
	_ =	sdelay $0x1  }
0x36: {  	v3 =	vperm.xlane v3, v2;
	v4 =	vadd.s32 v1, v4;
	_ =	sdelay $0x1  }
0x37: {  	v3 =	vadd.s32 v1, v3;
	_ =	sdelay $0x1  }
0x38: {  	s29 =	simm.s32 $0x8000  }
0x39: {  	[tilespmem:s29], [sflag:$0x1] =	stream.indirect_vreg.gather [hbm4b:s30+s4], $0x80, v4, vm0, $0xb8;
	[tilespmem:$0x16000] =	vst v63  }
0x3a: {  	s31 =	simm.s32 $0x8800;
	s15 =	simm.s32 $0x0  }
0x3b: {  	[tilespmem:s31], [sflag:$0x1] =	stream.indirect_vreg.gather [hbm4b:s30+s4], $0x80, v3, vm0, $0xb8;
	[tilespmem:$0x16000] =	vst v63  }
.LBB2_2:
0x3c: {  	s0 =	sshll.u32 s15, $0x1;
	p0 =	seq.s32 s15, $0x0  }
0x3d: {  	s2 =	simm.s32 @!p0 $0x4;
	s16 =	sor.u32 $0x1, s0  }
0x3e: {  	_ =	swait.ge @!p0 [sflag:s2], $0x3000;
	s0 =	smul.u32 $0xC0, s16  }
0x3f: {  	[sflag:s2] =	ssyncset.done @!p0 $0x0  }
0x40: {  	[sflag:s2] =	ssyncadd.s32 @!p0 $0xFFFFD000;
	s0 =	sshra.s32 s0, $0x2  }
0x41: {  	v3 =	vld [tilespmem:s0+$0x2000];
	_ =	sdelay $0x4  }
0x42: {  	v4 =	vshll.u32 v3, $0x1  }
0x43: {  	v3 =	vand.u32 $0x7, v3;
	v4 =	vand.u32 $0xFFFFFFF0, v4  }
0x44: {  	v3 =	vor.u32 v3, v4  }
0x45: {  	v4 =	vperm.xlane v3, v0;
	_ =	sdelay $0x1  }
0x46: {  	v3 =	vperm.xlane v3, v2;
	v4 =	vadd.s32 v1, v4;
	_ =	sdelay $0x1  }
0x47: {  	v3 =	vadd.s32 v1, v3;
	_ =	sdelay $0x1  }
0x48: {  	s19 =	simm.s32 $0x9000  }
0x49: {  	[tilespmem:s19], [sflag:$0x2] =	stream.indirect_vreg.gather [hbm4b:s30+s4], $0x80, v4, vm0, $0xb8;
	[tilespmem:$0x16000] =	vst v63  }
0x4a: {  	s20 =	simm.s32 $0x9800  }
0x4b: {  	[tilespmem:s20], [sflag:$0x2] =	stream.indirect_vreg.gather [hbm4b:s30+s4], $0x80, v3, vm0, $0xb8;
	[tilespmem:$0x16000] =	vst v63  }
0x4c: {  	v3 =	vld [tilespmem:s0+$0x2010];
	_ =	sdelay $0x4  }
0x4d: {  	v4 =	vshll.u32 v3, $0x1  }
0x4e: {  	v3 =	vand.u32 $0x7, v3;
	v4 =	vand.u32 $0xFFFFFFF0, v4  }
0x4f: {  	v3 =	vor.u32 v3, v4  }
0x50: {  	v4 =	vperm.xlane v3, v0;
	_ =	sdelay $0x1  }
0x51: {  	v3 =	vperm.xlane v3, v2;
	v4 =	vadd.s32 v1, v4;
	_ =	sdelay $0x1  }
0x52: {  	v3 =	vadd.s32 v1, v3;
	_ =	sdelay $0x1  }
0x53: {  	s21 =	simm.s32 $0xA000  }
0x54: {  	[tilespmem:s21], [sflag:$0x2] =	stream.indirect_vreg.gather [hbm4b:s30+s4], $0x80, v4, vm0, $0xb8;
	[tilespmem:$0x16000] =	vst v63  }
0x55: {  	s22 =	simm.s32 $0xA800  }
0x56: {  	[tilespmem:s22], [sflag:$0x2] =	stream.indirect_vreg.gather [hbm4b:s30+s4], $0x80, v3, vm0, $0xb8;
	[tilespmem:$0x16000] =	vst v63  }
0x57: {  	v3 =	vld [tilespmem:s0+$0x2020];
	_ =	sdelay $0x4  }
0x58: {  	v4 =	vshll.u32 v3, $0x1  }
0x59: {  	v3 =	vand.u32 $0x7, v3;
	v4 =	vand.u32 $0xFFFFFFF0, v4  }
0x5a: {  	v3 =	vor.u32 v3, v4  }
0x5b: {  	v4 =	vperm.xlane v3, v0;
	_ =	sdelay $0x1  }
0x5c: {  	v3 =	vperm.xlane v3, v2;
	v4 =	vadd.s32 v1, v4;
	_ =	sdelay $0x1  }
0x5d: {  	v3 =	vadd.s32 v1, v3;
	_ =	sdelay $0x1  }
0x5e: {  	s23 =	simm.s32 $0xB000  }
0x5f: {  	[tilespmem:s23], [sflag:$0x2] =	stream.indirect_vreg.gather [hbm4b:s30+s4], $0x80, v4, vm0, $0xb8;
	[tilespmem:$0x16000] =	vst v63  }
0x60: {  	s25 =	simm.s32 $0xB800;
	s3 =	simm.s32 $0x1  }
0x61: {  	[tilespmem:s25], [sflag:$0x2] =	stream.indirect_vreg.gather [hbm4b:s30+s4], $0x80, v3, vm0, $0xb8;
	[tilespmem:$0x16000] =	vst v63  }
0x62: {  	s24 =	smul.u32 $0x60, s15;
	_ =	swait.ge [sflag:s3], $0x3000  }
0x63: {  	s17 =	smul.u32 $0xA0, s15;
	s26 =	rddreg [dreg:$0x4]  }
0x64: {  	s0 =	sadd.s32 s26, s24  }
0x65: {  	s30 =	sadd.s32 $0x3800, s17;
	[sflag:s3] =	ssyncset.done $0x0;
	s0 =	sshll.u32 s0, $0x5  }
0x66: {  	[sflag:s3] =	ssyncadd.s32 $0xFFFFD000;
	s3 =	simm.s32 $0x6000;
	s0 =	sadd.s32 s1, s0  }
0x67: {  	v3 =	vmov s30;
	[hbm4b:s0+s4] =	stream.linear.scatter [tilespmem:s3], [sflag:$0x3], $0x3000, $0x38;
	[tilespmem:$0x16000] =	vst v63  }
0x68: {  	s0 =	simm.s32 @!p0 $0x5  }
0x69: {  	_ =	swait.ge @!p0 [sflag:s0], $0x5000  }
0x6a: {  	s5 =	simm.s32 $0x0;
	[sflag:s0] =	ssyncset.done @!p0 $0x0  }
0x6b: {  	s6 =	sand.u32 $0x70, s5;
	[sflag:s0] =	ssyncadd.s32 @!p0 $0xFFFFB000  }
0x6c: {  	v4 =	vld.idx.msk [tilespmem:v3+s6+$0x0 ss:$0x1], $0xffff;
	_ =	sdelay $0x2  }
0x6d: {  	s8 =	simm.s32 $0x2;
	s7 =	sand.u32 $0xC, s5  }
0x6e: {  	s9 =	sand.u32 $0xE, s8;
	v5 =	vmov s7  }
0x6f: {  	s10 =	simm.s32 $0x1;
	s11 =	simm.s32 $0x3;
	v6 =	vmov s9;
	v5 =	vperm.xlane v4, v5  }
0x70: {  	s12 =	sand.u32 $0xD, s10;
	v7 =	vmov s11;
	v6 =	vperm.xlane v4, v6  }
0x71: {  	v8 =	vmov s12;
	v7 =	vperm.xlane v4, v7;
	(v2sf) =	vpush v5, $0x0  }
0x72: {  	v4 =	vperm.xlane v4, v8;
	(v2sf) =	vpush v6, $0x0  }
0x73: {  	(v2sf) =	vpush v7, $0x0  }
0x74: {  	(v2sf) =	vpush v4, $0x0;
	_ =	sdelay $0xb  }
0x75: {  	s13 =	spop (v2sf)  }
0x76: {  	s14 =	spop (v2sf)  }
0x77: {  	s5 =	spop (v2sf)  }
0x78: {  	s18 =	spop (v2sf)  }
0x79: {  	s2 =	sshll.u32 s18, $0xA  }
0x7a: {  	s12 =	sshra.s32 s2, $0x2  }
0x7b: {  	v4 =	vld [tilespmem:s12+$0x0]  }
0x7c: {  	s10 =	simm.s32 $0x0  }
0x7d: {  	s19 =	sand.u32 $0x7800, s10;
	s6 =	simm.s32 $0x80  }
0x7e: {  	s7 =	sadd.s32 $0xC000, s19;
	s20 =	sand.u32 $0x280, s6  }
0x7f: {  	s2 =	sor.u32 s20, s7  }
0x80: {  	[tilespmem:s2+$0x0] =	vst v4  }
0x81: {  	v4 =	vld [tilespmem:s12+$0x10]  }
0x82: {  	s3 =	sshll.u32 s14, $0xA  }
0x83: {  	s18 =	sshra.s32 s3, $0x2  }
0x84: {  	v5 =	vld [tilespmem:s18+$0x0];
	_ =	sdelay $0x1  }
0x85: {  	s21 =	simm.s32 $0x100;
	[tilespmem:s2+$0x10] =	vst v4  }
0x86: {  	s0 =	sshll.u32 s13, $0xA;
	s3 =	sand.u32 $0x300, s21;
	v4 =	vld [tilespmem:s12+$0x20]  }
0x87: {  	s19 =	sshra.s32 s0, $0x2;
	s3 =	sor.u32 s3, s7  }
0x88: {  	v6 =	vld [tilespmem:s19+$0x0];
	[tilespmem:s3+$0x0] =	vst v5  }
0x89: {  	v5 =	vld [tilespmem:s18+$0x10]  }
0x8a: {  	s22 =	simm.s32 $0x0  }
0x8b: {  	s0 =	sand.u32 $0x200, s22;
	[tilespmem:s2+$0x20] =	vst v4  }
0x8c: {  	s0 =	sor.u32 s0, s7;
	v4 =	vld [tilespmem:s12+$0x30]  }
0x8d: {  	[tilespmem:s0+$0x0] =	vst v6  }
0x8e: {  	v6 =	vld [tilespmem:s19+$0x10];
	[tilespmem:s3+$0x10] =	vst v5  }
0x8f: {  	v5 =	vld [tilespmem:s18+$0x20];
	_ =	sdelay $0x1  }
0x90: {  	[tilespmem:s2+$0x30] =	vst v4  }
0x91: {  	s5 =	sshll.u32 s5, $0xA;
	v4 =	vld [tilespmem:s12+$0x40]  }
0x92: {  	s6 =	sshra.s32 s5, $0x2;
	[tilespmem:s0+$0x10] =	vst v6  }
0x93: {  	v6 =	vld [tilespmem:s6+$0x0];
	[tilespmem:s3+$0x20] =	vst v5  }
0x94: {  	v5 =	vld [tilespmem:s18+$0x30]  }
0x95: {  	s23 =	simm.s32 $0x180;
	v7 =	vld [tilespmem:s19+$0x20]  }
0x96: {  	s5 =	sand.u32 $0x380, s23;
	[tilespmem:s2+$0x40] =	vst v4  }
0x97: {  	s14 =	sor.u32 s5, s7;
	v4 =	vld [tilespmem:s12+$0x50]  }
0x98: {  	[tilespmem:s14+$0x0] =	vst v6  }
0x99: {  	v6 =	vld [tilespmem:s6+$0x10];
	[tilespmem:s3+$0x30] =	vst v5  }
0x9a: {  	s11 =	simm.s32 $0x4;
	[tilespmem:s0+$0x20] =	vst v7;
	v5 =	vld [tilespmem:s18+$0x40]  }
0x9b: {  	s24 =	sand.u32 $0x70, s11;
	v7 =	vld [tilespmem:s19+$0x30]  }
0x9c: {  	[tilespmem:s2+$0x50] =	vst v4;
	v4 =	vld.idx.msk [tilespmem:v3+s24+$0x0 ss:$0x1], $0xffff  }
0x9d: {  	v8 =	vld [tilespmem:s12+$0x60]  }
0x9e: {  	[tilespmem:s14+$0x10] =	vst v6  }
0x9f: {  	v6 =	vld [tilespmem:s6+$0x20];
	[tilespmem:s3+$0x40] =	vst v5  }
0xa0: {  	s25 =	sand.u32 $0xC, s11;
	s26 =	simm.s32 $0x6;
	[tilespmem:s0+$0x30] =	vst v7;
	v7 =	vld [tilespmem:s18+$0x50]  }
0xa1: {  	s30 =	sand.u32 $0xE, s26;
	v9 =	vld [tilespmem:s19+$0x40];
	v5 =	vmov s25  }
0xa2: {  	s8 =	simm.s32 $0x7;
	s1 =	simm.s32 $0x5;
	v10 =	vmov s30;
	v5 =	vperm.xlane v4, v5;
	[tilespmem:s2+$0x60] =	vst v8  }
0xa3: {  	s4 =	sand.u32 $0xD, s1;
	v10 =	vperm.xlane v4, v10;
	v8 =	vmov s8;
	v11 =	vld [tilespmem:s12+$0x70]  }
0xa4: {  	v12 =	vmov s4;
	[tilespmem:s14+$0x20] =	vst v6;
	v6 =	vperm.xlane v4, v8;
	(v2sf) =	vpush v5, $0x0  }
0xa5: {  	[tilespmem:s3+$0x50] =	vst v7;
	v5 =	vld [tilespmem:s6+$0x30];
	v4 =	vperm.xlane v4, v12;
	(v2sf) =	vpush v10, $0x0  }
0xa6: {  	[tilespmem:s0+$0x40] =	vst v9;
	(v2sf) =	vpush v6, $0x0;
	v6 =	vld [tilespmem:s18+$0x60]  }
0xa7: {  	(v2sf) =	vpush v4, $0x0;
	v4 =	vld [tilespmem:s19+$0x50]  }
0xa8: {  	[tilespmem:s2+$0x70] =	vst v11  }
0xa9: {  	s7 =	sand.u32 $0x7, s10;
	v7 =	vld [tilespmem:s12+$0x80]  }
0xaa: {  	[tilespmem:s14+$0x30] =	vst v5;
	s2 =	sshll.u32 s7, $0x7  }
0xab: {  	v5 =	vld [tilespmem:s6+$0x40];
	s2 =	sadd.s32 $0x0, s2;
	[tilespmem:s3+$0x60] =	vst v6  }
0xac: {  	s24 =	sadd.s32 $0x80, s2;
	[tilespmem:s0+$0x50] =	vst v4;
	v4 =	vld [tilespmem:s18+$0x70]  }
0xad: {  	s8 =	sor.u32 $0x400, s24  }
0xae: {  	v6 =	vld [tilespmem:s19+$0x60];
	[tilespmem:s8+$0xC000] =	vst v7  }
0xaf: {  	v7 =	vld [tilespmem:s12+$0x90]  }
0xb0: {  	[tilespmem:s14+$0x40] =	vst v5  }
0xb1: {  	v5 =	vld [tilespmem:s6+$0x50];
	[tilespmem:s3+$0x70] =	vst v4  }
0xb2: {  	s9 =	sand.u32 $0x3, s10;
	s21 =	simm.s32 $0x400;
	v4 =	vld [tilespmem:s18+$0x80]  }
0xb3: {  	s20 =	sor.u32 $0x410, s24;
	s3 =	sshll.u32 s9, $0x8;
	[tilespmem:s0+$0x60] =	vst v6;
	s13 =	spop (v2sf)  }
0xb4: {  	s3 =	sadd.s32 $0x0, s3;
	v6 =	vld [tilespmem:s19+$0x70];
	s5 =	sshll.u32 s13, $0xA;
	s9 =	spop (v2sf);
	[tilespmem:s20+$0xC000] =	vst v7  }
0xb5: {  	s3 =	sadd.s32 $0x100, s3;
	s8 =	sshra.s32 s5, $0x2;
	s22 =	sshll.u32 s9, $0xA;
	v7 =	vld [tilespmem:s12+$0xA0]  }
0xb6: {  	s13 =	sor.u32 $0x400, s3;
	s7 =	spop (v2sf);
	[tilespmem:s14+$0x50] =	vst v5;
	v5 =	vld [tilespmem:s8+$0x0];
	s9 =	sshra.s32 s22, $0x2  }
0xb7: {  	s26 =	simm.s32 $0x200;
	s25 =	sand.u32 $0x7800, s21;
	s23 =	spop (v2sf);
	[tilespmem:s13+$0xC000] =	vst v4;
	v4 =	vld [tilespmem:s9+$0x0]  }
0xb8: {  	s30 =	simm.s32 $0x300;
	s5 =	sadd.s32 $0xC000, s25;
	v8 =	vld [tilespmem:s6+$0x60];
	s20 =	sshll.u32 s23, $0xA  }
0xb9: {  	s22 =	sor.u32 $0x420, s24;
	s13 =	sand.u32 $0x200, s26;
	[tilespmem:s0+$0x70] =	vst v6;
	v6 =	vld [tilespmem:s18+$0x90];
	s0 =	sshra.s32 s20, $0x2  }
0xba: {  	s25 =	sor.u32 s13, s5;
	s13 =	sand.u32 $0x300, s30;
	v9 =	vld [tilespmem:s0+$0x0];
	[tilespmem:s22+$0xC000] =	vst v7  }
0xbb: {  	s31 =	sor.u32 s13, s5;
	[tilespmem:s25+$0x0] =	vst v5;
	v5 =	vld [tilespmem:s12+$0xB0]  }
0xbc: {  	p1 =	por $0x0, $0x0;
	s1 =	simm.s32 $0x280;
	s13 =	simm.s32 $0x1;
	[tilespmem:s31+$0x0] =	vst v4;
	v4 =	vld [tilespmem:s19+$0x80]  }
0xbd: {  	s4 =	sor.u32 $0x410, s3;
	s20 =	sand.u32 $0x280, s1;
	s13 =	simm.s32 @!p1 $0x0;
	[tilespmem:s14+$0x60] =	vst v8;
	v7 =	vld [tilespmem:s8+$0x10]  }
0xbe: {  	s29 =	sor.u32 s20, s5;
	s13 =	sshll.u32 s13, $0x9;
	v8 =	vld [tilespmem:s9+$0x10];
	[tilespmem:s4+$0xC000] =	vst v6  }
0xbf: {  	s22 =	sor.u32 $0x430, s24;
	s13 =	sadd.s32 $0x0, s13;
	[tilespmem:s29+$0x0] =	vst v9;
	v6 =	vld [tilespmem:s18+$0xA0]  }
0xc0: {  	s23 =	sor.u32 $0x400, s13;
	v9 =	vld [tilespmem:s0+$0x10];
	[tilespmem:s22+$0xC000] =	vst v5  }
0xc1: {  	[tilespmem:s23+$0xC000] =	vst v4;
	v4 =	vld [tilespmem:s6+$0x70]  }
0xc2: {  	[tilespmem:s25+$0x10] =	vst v7;
	v5 =	vld [tilespmem:s12+$0xC0]  }
0xc3: {  	s26 =	sor.u32 $0x420, s3;
	[tilespmem:s31+$0x10] =	vst v8;
	v7 =	vld [tilespmem:s19+$0x90]  }
0xc4: {  	v8 =	vld [tilespmem:s8+$0x20];
	[tilespmem:s26+$0xC000] =	vst v6  }
0xc5: {  	[tilespmem:s29+$0x10] =	vst v9;
	v6 =	vld [tilespmem:s18+$0xB0]  }
0xc6: {  	s30 =	sor.u32 $0x440, s24;
	v9 =	vld [tilespmem:s0+$0x20];
	[tilespmem:s14+$0x70] =	vst v4  }
0xc7: {  	s1 =	sor.u32 $0x410, s13;
	[tilespmem:s30+$0xC000] =	vst v5;
	v4 =	vld [tilespmem:s6+$0x80]  }
0xc8: {  	[tilespmem:s1+$0xC000] =	vst v7;
	v5 =	vld [tilespmem:s12+$0xD0]  }
0xc9: {  	s4 =	sor.u32 $0x430, s3;
	[tilespmem:s25+$0x20] =	vst v8;
	v7 =	vld [tilespmem:s19+$0xA0]  }
0xca: {  	s23 =	sadd.s32 $0x180, s2;
	v8 =	vld [tilespmem:s8+$0x30];
	[tilespmem:s4+$0xC000] =	vst v6  }
0xcb: {  	s22 =	sshll.u32 s7, $0xA;
	s26 =	sor.u32 $0x400, s23;
	v6 =	vld [tilespmem:s9+$0x20];
	[tilespmem:s29+$0x20] =	vst v9  }
0xcc: {  	s20 =	sor.u32 $0x450, s24;
	s22 =	sshra.s32 s22, $0x2;
	v9 =	vld [tilespmem:s0+$0x30];
	[tilespmem:s26+$0xC000] =	vst v4  }
0xcd: {  	v10 =	vld [tilespmem:s22+$0x0];
	s30 =	sor.u32 $0x420, s13;
	[tilespmem:s20+$0xC000] =	vst v5  }
0xce: {  	[tilespmem:s30+$0xC000] =	vst v7;
	v5 =	vld [tilespmem:s12+$0xE0]  }
0xcf: {  	[tilespmem:s25+$0x30] =	vst v8;
	v11 =	vld [tilespmem:s6+$0x90];
	s20 =	simm.s32 $0x380  }
0xd0: {  	v4 =	vld [tilespmem:s18+$0xC0];
	[tilespmem:s31+$0x20] =	vst v6;
	s1 =	sand.u32 $0x380, s20  }
0xd1: {  	p1 =	por !p1, !p1;
	s2 =	simm.s32 $0x1;
	v8 =	vld [tilespmem:s8+$0x40];
	s26 =	sor.u32 s1, s5;
	[tilespmem:s29+$0x30] =	vst v9  }
0xd2: {  	s2 =	simm.s32 @!p1 $0x0;
	s4 =	sor.u32 $0x460, s24;
	v6 =	vld [tilespmem:s9+$0x30];
	[tilespmem:s26+$0x0] =	vst v10  }
0xd3: {  	s2 =	sshll.u32 s2, $0x9;
	s30 =	sor.u32 $0x410, s23;
	v7 =	vld [tilespmem:s0+$0x40];
	[tilespmem:s4+$0xC000] =	vst v5  }
0xd4: {  	s28 =	simm.s32 $0x400;
	s14 =	simm.s32 $0x0;
	[tilespmem:s30+$0xC000] =	vst v11;
	v5 =	vld [tilespmem:s12+$0xF0];
	s12 =	sadd.s32 $0x400, s2  }
.LBB2_3:
0xd5: {  	s10 =	sadd.s32 $0x4, s10  }
0xd6: {  	v9 =	vld [tilespmem:s22+$0x10];
	s14 =	sadd.s32 $0x2, s14;
	s2 =	smov.u32 s11;
	s11 =	sadd.s32 $0x4, s11  }
0xd7: {  	s5 =	sand.u32 $0x70, s11;
	s7 =	sand.u32 $0xC, s11;
	p2 =	slt.u32 s11, $0x4C;
	[tilespmem:s31+$0x30] =	vst v6;
	v6 =	vld [tilespmem:s19+$0xB0]  }
0xd8: {  	s24 =	sor.u32 $0x470, s24;
	[tilespmem:s29+$0x40] =	vst v7;
	v7 =	vld [tilespmem:s6+$0xA0]  }
0xd9: {  	v10 =	vld [tilespmem:s0+$0x50];
	[tilespmem:s24+$0xC000] =	vst v5  }
0xda: {  	[tilespmem:s25+$0x40] =	vst v8;
	v5 =	vld [tilespmem:s9+$0x40]  }
0xdb: {  	s30 =	sor.u32 $0x420, s23;
	s24 =	sor.u32 $0x430, s13;
	v8 =	vld [tilespmem:s8+$0x50];
	[tilespmem:s26+$0x10] =	vst v9  }
0xdc: {  	s4 =	sadd.s32 $0x5, s2;
	s1 =	sadd.s32 $0x6, s2;
	s2 =	sadd.s32 $0x7, s2;
	v9 =	vld [tilespmem:s22+$0x20];
	[tilespmem:s24+$0xC000] =	vst v6  }
0xdd: {  	s4 =	sand.u32 $0xD, s4;
	s1 =	sand.u32 $0xE, s1;
	v11 =	vmov s2;
	v6 =	vmov s7;
	v12 =	vld [tilespmem:s19+$0xC0];
	[tilespmem:s30+$0xC000] =	vst v7  }
0xde: {  	v7 =	vmov s1;
	[tilespmem:s29+$0x50] =	vst v10;
	v10 =	vld [tilespmem:s6+$0xB0]  }
0xdf: {  	v14 =	vmov s4;
	v13 =	vld.idx.msk [tilespmem:v3+s5+$0x0 ss:$0x1], $0xffff;
	[tilespmem:s31+$0x40] =	vst v5  }
0xe0: {  	[tilespmem:s25+$0x50] =	vst v8;
	v5 =	vld [tilespmem:s0+$0x60]  }
0xe1: {  	s1 =	sor.u32 $0x440, s13;
	v8 =	vld [tilespmem:s9+$0x50];
	[tilespmem:s26+$0x20] =	vst v9  }
0xe2: {  	v9 =	vld [tilespmem:s22+$0x30];
	[tilespmem:s1+$0xC000] =	vst v12;
	s1 =	sor.u32 $0x430, s23  }
0xe3: {  	s2 =	sor.u32 $0x440, s3;
	v12 =	vld [tilespmem:s8+$0x60];
	[tilespmem:s1+$0xC000] =	vst v10  }
0xe4: {  	[tilespmem:s2+$0xC000] =	vst v4;
	v4 =	vld [tilespmem:s6+$0xC0]  }
0xe5: {  	v6 =	vperm.xlane v13, v6;
	v10 =	vperm.xlane v13, v14;
	[tilespmem:s29+$0x60] =	vst v5;
	v5 =	vld [tilespmem:s19+$0xD0]  }
0xe6: {  	v7 =	vperm.xlane v13, v7;
	v11 =	vperm.xlane v13, v11;
	v13 =	vld [tilespmem:s0+$0x70];
	[tilespmem:s31+$0x50] =	vst v8  }
0xe7: {  	(v2sf) =	vpush v6, $0x0;
	v6 =	vld [tilespmem:s9+$0x60];
	[tilespmem:s26+$0x30] =	vst v9  }
0xe8: {  	s1 =	sor.u32 $0x440, s23;
	(v2sf) =	vpush v7, $0x0;
	[tilespmem:s25+$0x60] =	vst v12;
	v7 =	vld [tilespmem:s22+$0x40]  }
0xe9: {  	s2 =	sor.u32 $0x450, s13;
	(v2sf) =	vpush v11, $0x0;
	v8 =	vld [tilespmem:s18+$0xD0];
	[tilespmem:s1+$0xC000] =	vst v4  }
0xea: {  	(v2sf) =	vpush v10, $0x0;
	[tilespmem:s2+$0xC000] =	vst v5;
	v4 =	vld [tilespmem:s6+$0xD0]  }
0xeb: {  	v5 =	vld [tilespmem:s8+$0x70];
	[tilespmem:s29+$0x70] =	vst v13  }
0xec: {  	s1 =	sand.u32 $0x7, s10;
	v9 =	vld [tilespmem:s0+$0x80];
	[tilespmem:s31+$0x60] =	vst v6  }
0xed: {  	s1 =	sshll.u32 s1, $0x7;
	s2 =	sor.u32 $0x450, s3;
	v6 =	vld [tilespmem:s9+$0x70];
	[tilespmem:s26+$0x40] =	vst v7  }
0xee: {  	s30 =	sadd.s32 s21, s1;
	s1 =	sor.u32 $0x450, s23;
	v7 =	vld [tilespmem:s19+$0xE0];
	[tilespmem:s2+$0xC000] =	vst v8  }
0xef: {  	s24 =	sadd.s32 $0x80, s30;
	v8 =	vld [tilespmem:s18+$0xE0];
	[tilespmem:s1+$0xC000] =	vst v4  }
0xf0: {  	s1 =	sor.u32 $0x400, s24;
	[tilespmem:s25+$0x70] =	vst v5;
	v4 =	vld [tilespmem:s6+$0xE0]  }
0xf1: {  	p1 =	por !p1, !p1;
	s2 =	simm.s32 $0x1;
	[tilespmem:s1+$0xC000] =	vst v9;
	v5 =	vld [tilespmem:s22+$0x50];
	s1 =	sor.u32 $0x460, s13  }
0xf2: {  	s4 =	sor.u32 $0x460, s3;
	s21 =	sadd.s32 $0x400, s21;
	s2 =	simm.s32 @!p1 $0x0;
	v9 =	vld [tilespmem:s0+$0x90];
	[tilespmem:s31+$0x70] =	vst v6  }
0xf3: {  	s20 =	sadd.s32 $0x200, s20;
	s5 =	sand.u32 $0x3, s14;
	s2 =	sshll.u32 s2, $0x9;
	v6 =	vld [tilespmem:s9+$0x80];
	[tilespmem:s1+$0xC000] =	vst v7  }
0xf4: {  	s1 =	sadd.s32 s2, s21;
	s2 =	sshll.u32 s5, $0x8;
	v7 =	vld [tilespmem:s19+$0xF0];
	[tilespmem:s4+$0xC000] =	vst v8;
	s4 =	sor.u32 $0x460, s23  }
0xf5: {  	s5 =	sor.u32 $0x470, s13;
	s2 =	sadd.s32 s28, s2;
	s28 =	smov.u32 s21;
	v8 =	vld [tilespmem:s18+$0xF0];
	[tilespmem:s4+$0xC000] =	vst v4  }
0xf6: {  	s7 =	sor.u32 $0x410, s24;
	s18 =	sadd.s32 $0x100, s2;
	s4 =	spop (v2sf);
	[tilespmem:s26+$0x50] =	vst v5;
	v4 =	vld [tilespmem:s6+$0xF0]  }
0xf7: {  	s6 =	sor.u32 $0x400, s18;
	s2 =	sshll.u32 s4, $0xA;
	s4 =	spop (v2sf);
	[tilespmem:s7+$0xC000] =	vst v9;
	v5 =	vld [tilespmem:s22+$0x60]  }
0xf8: {  	s29 =	sshra.s32 s2, $0x2;
	s2 =	sshll.u32 s4, $0xA;
	s4 =	spop (v2sf);
	v9 =	vld [tilespmem:s0+$0xA0];
	[tilespmem:s6+$0xC000] =	vst v6  }
0xf9: {  	s3 =	sor.u32 $0x470, s3;
	v6 =	vld [tilespmem:s29+$0x0];
	s7 =	sshll.u32 s4, $0xA;
	s4 =	spop (v2sf);
	[tilespmem:s5+$0xC000] =	vst v7  }
0xfa: {  	s6 =	sshra.s32 s2, $0x2;
	s2 =	sor.u32 $0x470, s23;
	s4 =	sshll.u32 s4, $0xA;
	v7 =	vld [tilespmem:s9+$0x90];
	[tilespmem:s3+$0xC000] =	vst v8  }
0xfb: {  	s13 =	sor.u32 $0x420, s24;
	s5 =	sadd.s32 $0xFFFFFE80, s20;
	s3 =	sand.u32 $0x7800, s21;
	v8 =	vld [tilespmem:s6+$0x0];
	[tilespmem:s2+$0xC000] =	vst v4  }
0xfc: {  	s19 =	sand.u32 $0x200, s5;
	s5 =	sadd.s32 $0xC000, s3;
	s2 =	sshra.s32 s4, $0x2  }
0xfd: {  	s3 =	sadd.s32 $0xFFFFFF80, s20;
	s25 =	sor.u32 s19, s5;
	v4 =	vld [tilespmem:s2+$0x0];
	[tilespmem:s13+$0xC000] =	vst v9;
	s13 =	smov.u32 s12  }
0xfe: {  	s4 =	sand.u32 $0x300, s3;
	s3 =	smov.u32 s18;
	s12 =	smov.u32 s1;
	[tilespmem:s25+$0x0] =	vst v6;
	v6 =	vld [tilespmem:s0+$0xB0]  }
0xff: {  	s19 =	smov.u32 s8;
	s1 =	sadd.s32 $0xFFFFFF00, s20;
	s31 =	sor.u32 s4, s5;
	v9 =	vld [tilespmem:s29+$0x10];
	[tilespmem:s26+$0x60] =	vst v5  }
0x100: {  	s8 =	smov.u32 s29;
	s4 =	sor.u32 $0x410, s3;
	s1 =	sand.u32 $0x280, s1;
	[tilespmem:s31+$0x0] =	vst v8;
	v5 =	vld [tilespmem:s19+$0x80]  }
0x101: {  	s18 =	smov.u32 s9;
	s9 =	smov.u32 s6;
	s29 =	sor.u32 s1, s5;
	v8 =	vld [tilespmem:s6+$0x10];
	[tilespmem:s4+$0xC000] =	vst v7  }
0x102: {  	s1 =	sor.u32 $0x430, s24;
	s6 =	smov.u32 s22;
	[tilespmem:s29+$0x0] =	vst v4;
	v4 =	vld [tilespmem:s18+$0xA0]  }
0x103: {  	v7 =	vld [tilespmem:s2+$0x10];
	[tilespmem:s1+$0xC000] =	vst v6  }
0x104: {  	s1 =	sor.u32 $0x400, s13;
	[tilespmem:s25+$0x10] =	vst v9;
	v6 =	vld [tilespmem:s0+$0xC0]  }
0x105: {  	[tilespmem:s1+$0xC000] =	vst v5;
	v5 =	vld [tilespmem:s6+$0x70]  }
0x106: {  	s1 =	sor.u32 $0x420, s3;
	[tilespmem:s31+$0x10] =	vst v8;
	v8 =	vld [tilespmem:s19+$0x90]  }
0x107: {  	v9 =	vld [tilespmem:s8+$0x20];
	[tilespmem:s1+$0xC000] =	vst v4  }
0x108: {  	s1 =	sor.u32 $0x440, s24;
	[tilespmem:s29+$0x10] =	vst v7;
	v4 =	vld [tilespmem:s18+$0xB0]  }
0x109: {  	v7 =	vld [tilespmem:s2+$0x20];
	[tilespmem:s1+$0xC000] =	vst v6  }
0x10a: {  	s1 =	sor.u32 $0x410, s13;
	v6 =	vld [tilespmem:s0+$0xD0];
	[tilespmem:s26+$0x70] =	vst v5  }
0x10b: {  	[tilespmem:s1+$0xC000] =	vst v8;
	v5 =	vld [tilespmem:s6+$0x80]  }
0x10c: {  	s1 =	sor.u32 $0x430, s3;
	[tilespmem:s25+$0x20] =	vst v9;
	v8 =	vld [tilespmem:s19+$0xA0]  }
0x10d: {  	v9 =	vld [tilespmem:s8+$0x30];
	[tilespmem:s1+$0xC000] =	vst v4  }
0x10e: {  	s23 =	sadd.s32 $0x180, s30;
	s1 =	sor.u32 $0x450, s24;
	[tilespmem:s29+$0x20] =	vst v7;
	v4 =	vld [tilespmem:s9+$0x20]  }
0x10f: {  	v7 =	vld [tilespmem:s2+$0x30];
	[tilespmem:s1+$0xC000] =	vst v6;
	s1 =	sor.u32 $0x400, s23  }
0x110: {  	s22 =	sshra.s32 s7, $0x2;
	s4 =	sor.u32 $0x420, s13;
	v10 =	vld [tilespmem:s0+$0xE0];
	[tilespmem:s1+$0xC000] =	vst v5  }
0x111: {  	v5 =	vld [tilespmem:s22+$0x0];
	[tilespmem:s4+$0xC000] =	vst v8  }
0x112: {  	[tilespmem:s25+$0x30] =	vst v9;
	v9 =	vld [tilespmem:s6+$0x90]  }
.Ltmp0:
0x113: {  	[tilespmem:s31+$0x20] =	vst v4;
	v4 =	vld [tilespmem:s18+$0xC0];
	(pc) =	sbr.rel @p2 .LBB2_3-.Ltmp0, $4  }
0x114: {  	s1 =	sand.u32 $0x380, s20;
	s4 =	sor.u32 $0x460, s24;
	[tilespmem:s29+$0x30] =	vst v7;
	v6 =	vld [tilespmem:s9+$0x30]  }
0x115: {  	s26 =	sor.u32 s1, s5;
	v7 =	vld [tilespmem:s2+$0x40];
	[tilespmem:s4+$0xC000] =	vst v10  }
0x116: {  	s1 =	sor.u32 $0x410, s23;
	[tilespmem:s26+$0x0] =	vst v5;
	v5 =	vld [tilespmem:s0+$0xF0];
	s0 =	smov.u32 s2  }
0x117: {  	v8 =	vld [tilespmem:s8+$0x40];
	[tilespmem:s1+$0xC000] =	vst v9  }
0x118: {  	v3 =	vld [tilespmem:s22+$0x10];
	_ =	sdelay $0x4  }
0x119: {  	[tilespmem:s26+$0x10] =	vst v3  }
0x11a: {  	v3 =	vld [tilespmem:s22+$0x20];
	_ =	sdelay $0x4  }
0x11b: {  	[tilespmem:s26+$0x20] =	vst v3  }
0x11c: {  	v3 =	vld [tilespmem:s22+$0x30];
	_ =	sdelay $0x1  }
0x11d: {  	[tilespmem:s31+$0x30] =	vst v6  }
0x11e: {  	v6 =	vld [tilespmem:s9+$0x40];
	_ =	sdelay $0x1  }
0x11f: {  	[tilespmem:s26+$0x30] =	vst v3  }
0x120: {  	[tilespmem:s29+$0x40] =	vst v7;
	v3 =	vld [tilespmem:s22+$0x40]  }
0x121: {  	v7 =	vld [tilespmem:s0+$0x50];
	[tilespmem:s25+$0x40] =	vst v8  }
0x122: {  	v8 =	vld [tilespmem:s8+$0x50];
	[tilespmem:s31+$0x40] =	vst v6  }
0x123: {  	v6 =	vld [tilespmem:s9+$0x50];
	_ =	sdelay $0x1  }
0x124: {  	[tilespmem:s26+$0x40] =	vst v3  }
0x125: {  	[tilespmem:s29+$0x50] =	vst v7;
	v3 =	vld [tilespmem:s22+$0x50]  }
0x126: {  	v7 =	vld [tilespmem:s0+$0x60];
	[tilespmem:s25+$0x50] =	vst v8  }
0x127: {  	v8 =	vld [tilespmem:s8+$0x60];
	[tilespmem:s31+$0x50] =	vst v6  }
0x128: {  	v6 =	vld [tilespmem:s9+$0x60];
	_ =	sdelay $0x1  }
0x129: {  	[tilespmem:s26+$0x50] =	vst v3  }
0x12a: {  	[tilespmem:s29+$0x60] =	vst v7;
	v3 =	vld [tilespmem:s22+$0x60]  }
0x12b: {  	v7 =	vld [tilespmem:s0+$0x70];
	[tilespmem:s25+$0x60] =	vst v8  }
0x12c: {  	v8 =	vld [tilespmem:s8+$0x70];
	[tilespmem:s31+$0x60] =	vst v6  }
0x12d: {  	v6 =	vld [tilespmem:s9+$0x70];
	_ =	sdelay $0x1  }
0x12e: {  	[tilespmem:s26+$0x60] =	vst v3  }
0x12f: {  	s1 =	sadd.s32 $0x4, s10;
	[tilespmem:s29+$0x70] =	vst v7;
	v3 =	vld [tilespmem:s22+$0x70]  }
0x130: {  	s1 =	sand.u32 $0x7, s1;
	v7 =	vld [tilespmem:s0+$0x80];
	[tilespmem:s25+$0x70] =	vst v8  }
0x131: {  	s4 =	sor.u32 $0x470, s24;
	s1 =	sshll.u32 s1, $0x7;
	[tilespmem:s31+$0x70] =	vst v6;
	v6 =	vld [tilespmem:s8+$0x80]  }
0x132: {  	s2 =	sadd.s32 $0x2, s14;
	s5 =	sor.u32 $0x440, s3;
	s1 =	sadd.s32 s21, s1;
	[tilespmem:s4+$0xC000] =	vst v5;
	v5 =	vld [tilespmem:s6+$0xA0]  }
0x133: {  	s2 =	sand.u32 $0x3, s2;
	[tilespmem:s5+$0xC000] =	vst v4;
	s10 =	sadd.s32 $0x80, s1;
	v8 =	vld [tilespmem:s9+$0x80]  }
0x134: {  	v9 =	vld [tilespmem:s19+$0xB0];
	s2 =	sshll.u32 s2, $0x8;
	s11 =	sor.u32 $0x400, s10;
	[tilespmem:s26+$0x70] =	vst v3  }
0x135: {  	s14 =	sor.u32 $0x400, s12;
	s2 =	sadd.s32 s28, s2;
	[tilespmem:s11+$0xC000] =	vst v7;
	v3 =	vld [tilespmem:s22+$0x80]  }
0x136: {  	s21 =	sor.u32 $0x420, s23;
	s11 =	sadd.s32 $0x100, s2;
	v7 =	vld [tilespmem:s0+$0x90];
	[tilespmem:s14+$0xC000] =	vst v6  }
0x137: {  	[tilespmem:s21+$0xC000] =	vst v5;
	s20 =	sor.u32 $0x400, s11;
	v6 =	vld [tilespmem:s8+$0x90]  }
0x138: {  	s7 =	sor.u32 $0x430, s13;
	v5 =	vld [tilespmem:s6+$0xB0];
	s14 =	sadd.s32 $0x180, s1;
	[tilespmem:s20+$0xC000] =	vst v8  }
0x139: {  	[tilespmem:s7+$0xC000] =	vst v9;
	s1 =	sor.u32 $0x400, s14;
	v8 =	vld [tilespmem:s9+$0x90]  }
0x13a: {  	v9 =	vld [tilespmem:s19+$0xC0];
	s25 =	sor.u32 $0x410, s10;
	[tilespmem:s1+$0xC000] =	vst v3  }
0x13b: {  	[tilespmem:s25+$0xC000] =	vst v7;
	s26 =	sor.u32 $0x410, s12;
	v3 =	vld [tilespmem:s22+$0x90]  }
0x13c: {  	s4 =	sor.u32 $0x430, s23;
	v7 =	vld [tilespmem:s0+$0xA0];
	[tilespmem:s26+$0xC000] =	vst v6  }
0x13d: {  	[tilespmem:s4+$0xC000] =	vst v5;
	s29 =	sor.u32 $0x410, s11;
	v6 =	vld [tilespmem:s8+$0xA0]  }
0x13e: {  	s24 =	sor.u32 $0x440, s13;
	v4 =	vld [tilespmem:s6+$0xC0];
	[tilespmem:s29+$0xC000] =	vst v8  }
0x13f: {  	[tilespmem:s24+$0xC000] =	vst v9;
	s2 =	sor.u32 $0x410, s14;
	v8 =	vld [tilespmem:s9+$0xA0]  }
0x140: {  	s7 =	sor.u32 $0x420, s10;
	v5 =	vld [tilespmem:s19+$0xD0];
	[tilespmem:s2+$0xC000] =	vst v3  }
0x141: {  	s20 =	sor.u32 $0x420, s12;
	[tilespmem:s7+$0xC000] =	vst v7;
	v3 =	vld [tilespmem:s22+$0xA0]  }
0x142: {  	s25 =	sor.u32 $0x440, s23;
	v7 =	vld [tilespmem:s0+$0xB0];
	[tilespmem:s20+$0xC000] =	vst v6  }
0x143: {  	s21 =	sor.u32 $0x420, s11;
	[tilespmem:s25+$0xC000] =	vst v4;
	v6 =	vld [tilespmem:s8+$0xB0]  }
0x144: {  	v4 =	vld [tilespmem:s18+$0xD0];
	s26 =	sor.u32 $0x450, s13;
	[tilespmem:s21+$0xC000] =	vst v8  }
0x145: {  	s24 =	sor.u32 $0x420, s14;
	[tilespmem:s26+$0xC000] =	vst v5;
	v8 =	vld [tilespmem:s9+$0xB0]  }
0x146: {  	s29 =	sor.u32 $0x430, s10;
	v5 =	vld [tilespmem:s6+$0xD0];
	[tilespmem:s24+$0xC000] =	vst v3  }
0x147: {  	[tilespmem:s29+$0xC000] =	vst v7;
	s2 =	sor.u32 $0x430, s12;
	v3 =	vld [tilespmem:s22+$0xB0]  }
0x148: {  	s7 =	sor.u32 $0x450, s3;
	v7 =	vld [tilespmem:s0+$0xC0];
	[tilespmem:s2+$0xC000] =	vst v6  }
0x149: {  	s4 =	sor.u32 $0x430, s11;
	[tilespmem:s7+$0xC000] =	vst v4;
	v6 =	vld [tilespmem:s8+$0xC0]  }
0x14a: {  	v4 =	vld [tilespmem:s19+$0xE0];
	s20 =	sor.u32 $0x450, s23;
	[tilespmem:s4+$0xC000] =	vst v8  }
0x14b: {  	s5 =	sor.u32 $0x430, s14;
	[tilespmem:s20+$0xC000] =	vst v5;
	v8 =	vld [tilespmem:s9+$0xC0]  }
0x14c: {  	s21 =	sor.u32 $0x440, s10;
	v5 =	vld [tilespmem:s18+$0xE0];
	[tilespmem:s5+$0xC000] =	vst v3  }
0x14d: {  	[tilespmem:s21+$0xC000] =	vst v7;
	s24 =	sor.u32 $0x440, s12;
	v3 =	vld [tilespmem:s22+$0xC0]  }
0x14e: {  	s29 =	sor.u32 $0x460, s13;
	v7 =	vld [tilespmem:s0+$0xD0];
	[tilespmem:s24+$0xC000] =	vst v6  }
0x14f: {  	s25 =	sor.u32 $0x440, s11;
	[tilespmem:s29+$0xC000] =	vst v4;
	v6 =	vld [tilespmem:s8+$0xD0]  }
0x150: {  	s4 =	sor.u32 $0x460, s3;
	v4 =	vld [tilespmem:s6+$0xE0];
	[tilespmem:s25+$0xC000] =	vst v8  }
0x151: {  	s26 =	sor.u32 $0x440, s14;
	[tilespmem:s4+$0xC000] =	vst v5;
	v8 =	vld [tilespmem:s9+$0xD0]  }
0x152: {  	v5 =	vld [tilespmem:s19+$0xF0];
	s5 =	sor.u32 $0x450, s10;
	[tilespmem:s26+$0xC000] =	vst v3  }
0x153: {  	s7 =	sor.u32 $0x450, s12;
	[tilespmem:s5+$0xC000] =	vst v7;
	v3 =	vld [tilespmem:s22+$0xD0]  }
0x154: {  	s21 =	sor.u32 $0x460, s23;
	[tilespmem:s7+$0xC000] =	vst v6;
	v7 =	vld [tilespmem:s0+$0xE0]  }
0x155: {  	s19 =	sor.u32 $0x450, s11;
	[tilespmem:s21+$0xC000] =	vst v4;
	v6 =	vld [tilespmem:s8+$0xE0]  }
0x156: {  	v4 =	vld [tilespmem:s18+$0xF0];
	s24 =	sor.u32 $0x470, s13;
	[tilespmem:s19+$0xC000] =	vst v8  }
0x157: {  	s20 =	sor.u32 $0x450, s14;
	[tilespmem:s24+$0xC000] =	vst v5;
	v5 =	vld [tilespmem:s6+$0xF0]  }
0x158: {  	s25 =	sor.u32 $0x460, s10;
	v8 =	vld [tilespmem:s9+$0xE0];
	[tilespmem:s20+$0xC000] =	vst v3  }
0x159: {  	s26 =	sor.u32 $0x460, s12;
	[tilespmem:s25+$0xC000] =	vst v7;
	v3 =	vld [tilespmem:s22+$0xE0]  }
0x15a: {  	s3 =	sor.u32 $0x470, s3;
	[tilespmem:s26+$0xC000] =	vst v6;
	v7 =	vld [tilespmem:s0+$0xF0]  }
0x15b: {  	s4 =	sor.u32 $0x470, s23;
	[tilespmem:s3+$0xC000] =	vst v4;
	v6 =	vld [tilespmem:s8+$0xF0]  }
0x15c: {  	s29 =	sor.u32 $0x460, s11;
	[tilespmem:s4+$0xC000] =	vst v5  }
0x15d: {  	s2 =	sor.u32 $0x460, s14;
	[tilespmem:s29+$0xC000] =	vst v8  }
0x15e: {  	s5 =	sor.u32 $0x470, s10;
	v8 =	vld [tilespmem:s9+$0xF0];
	[tilespmem:s2+$0xC000] =	vst v3  }
0x15f: {  	s6 =	sor.u32 $0x470, s12;
	[tilespmem:s5+$0xC000] =	vst v7;
	v3 =	vld [tilespmem:s22+$0xF0]  }
0x160: {  	[tilespmem:s6+$0xC000] =	vst v6  }
0x161: {  	p1 =	seq.s32 s15, $0x3F;
	s1 =	rddreg [dreg:$0x6]  }
0x162: {  	s13 =	simm.s32 $0x3;
	s7 =	sor.u32 $0x470, s11;
	s1 =	sadd.s32 s1, s17  }
0x163: {  	s9 =	rddreg [dreg:$0x2];
	s8 =	sor.u32 $0x470, s14;
	[tilespmem:s7+$0xC000] =	vst v8;
	s1 =	sshll.u32 s1, $0x5  }
0x164: {  	s11 =	simm.s32 $0x0;
	s12 =	simm.s32 $0xC000;
	s10 =	sadd.s32 s9, s1;
	[tilespmem:s8+$0xC000] =	vst v3  }
0x165: {  	[hbm4b:s10+s11] =	stream.linear.scatter [tilespmem:s12], [sflag:$0x5], $0x5000, $0x38;
	[tilespmem:$0x16000] =	vst v63  }
0x166: {  	s0 =	smul.u32 @!p1 $0x180, s15;
	_ =	swait.ge [sflag:s13], $0x3000  }
0x167: {  	[sflag:s13] =	ssyncset.done $0x0  }
0x168: {  	s0 =	sshra.s32 @!p1 s0, $0x2;
	[sflag:s13] =	ssyncadd.s32 $0xFFFFD000  }
0x169: {  	v3 =	vld @!p1 [tilespmem:s0+$0x2060];
	_ =	sdelay $0x4  }
0x16a: {  	v4 =	vshll.u32 @!p1 v3, $0x1  }
0x16b: {  	v5 =	vlaneseq.u32 @!p1;
	v3 =	vand.u32 @!p1 $0x7, v3;
	v4 =	vand.u32 @!p1 $0xFFFFFFF0, v4  }
0x16c: {  	v6 =	vshrl.u32 @!p1 v5, $0x3;
	v3 =	vor.u32 @!p1 v3, v4;
	v4 =	vand.u32 @!p1 $0x7, v5  }
0x16d: {  	v6 =	vmul.u32 @!p1 $0x8, v6;
	v7 =	vperm.xlane @!p1 v3, v4  }
0x16e: {  	v5 =	vor.u32 @!p1 $0x8, v5  }
0x16f: {  	v3 =	vperm.xlane @!p1 v3, v5;
	v7 =	vadd.s32 @!p1 v6, v7;
	_ =	sdelay $0x1  }
0x170: {  	v3 =	vadd.s32 @!p1 v6, v3;
	_ =	sdelay $0x1  }
0x171: {  	vm1 =	vmmov @!p1 $0xffff;
	s2 =	simm.s32 @!p1 $0x6000;
	s1 =	simm.s32 @!p1 $0x0;
	s30 =	rddreg [dreg:$0x1]  }
0x172: {  	[tilespmem:s2], [sflag:$0x1] =	stream.indirect_vreg.gather @!p1 [hbm4b:s30+s1], $0x80, v7, vm1, $0xb8;
	[tilespmem:$0x16000] =	vst v63  }
0x173: {  	s2 =	simm.s32 @!p1 $0x6800  }
0x174: {  	[tilespmem:s2], [sflag:$0x1] =	stream.indirect_vreg.gather @!p1 [hbm4b:s30+s1], $0x80, v3, vm1, $0xb8;
	[tilespmem:$0x16000] =	vst v63  }
0x175: {  	v3 =	vld @!p1 [tilespmem:s0+$0x2070];
	_ =	sdelay $0x4  }
0x176: {  	v7 =	vshll.u32 @!p1 v3, $0x1  }
0x177: {  	v3 =	vand.u32 @!p1 $0x7, v3;
	v7 =	vand.u32 @!p1 $0xFFFFFFF0, v7  }
0x178: {  	v3 =	vor.u32 @!p1 v3, v7  }
0x179: {  	v7 =	vperm.xlane @!p1 v3, v4;
	_ =	sdelay $0x1  }
0x17a: {  	v3 =	vperm.xlane @!p1 v3, v5;
	v7 =	vadd.s32 @!p1 v6, v7;
	_ =	sdelay $0x1  }
0x17b: {  	v3 =	vadd.s32 @!p1 v6, v3;
	_ =	sdelay $0x1  }
0x17c: {  	s2 =	simm.s32 @!p1 $0x7000  }
0x17d: {  	[tilespmem:s2], [sflag:$0x1] =	stream.indirect_vreg.gather @!p1 [hbm4b:s30+s1], $0x80, v7, vm1, $0xb8;
	[tilespmem:$0x16000] =	vst v63  }
0x17e: {  	s2 =	simm.s32 @!p1 $0x7800  }
0x17f: {  	[tilespmem:s2], [sflag:$0x1] =	stream.indirect_vreg.gather @!p1 [hbm4b:s30+s1], $0x80, v3, vm1, $0xb8;
	[tilespmem:$0x16000] =	vst v63  }
0x180: {  	v3 =	vld @!p1 [tilespmem:s0+$0x2080];
	_ =	sdelay $0x4  }
0x181: {  	v7 =	vshll.u32 @!p1 v3, $0x1  }
0x182: {  	v3 =	vand.u32 @!p1 $0x7, v3;
	v7 =	vand.u32 @!p1 $0xFFFFFFF0, v7  }
0x183: {  	v3 =	vor.u32 @!p1 v3, v7  }
0x184: {  	v4 =	vperm.xlane @!p1 v3, v4;
	_ =	sdelay $0x1  }
0x185: {  	v3 =	vperm.xlane @!p1 v3, v5;
	v4 =	vadd.s32 @!p1 v6, v4;
	_ =	sdelay $0x1  }
0x186: {  	v3 =	vadd.s32 @!p1 v6, v3;
	_ =	sdelay $0x1  }
0x187: {  	s0 =	simm.s32 @!p1 $0x8000  }
0x188: {  	[tilespmem:s0], [sflag:$0x1] =	stream.indirect_vreg.gather @!p1 [hbm4b:s30+s1], $0x80, v4, vm1, $0xb8;
	[tilespmem:$0x16000] =	vst v63  }
0x189: {  	s17 =	simm.s32 $0x2;
	s0 =	simm.s32 @!p1 $0x8800  }
0x18a: {  	[tilespmem:s0], [sflag:$0x1] =	stream.indirect_vreg.gather @!p1 [hbm4b:s30+s1], $0x80, v3, vm1, $0xb8;
	[tilespmem:$0x16000] =	vst v63  }
0x18b: {  	s14 =	smul.u32 $0x30, s16;
	_ =	swait.ge [sflag:s17], $0x3000  }
0x18c: {  	s16 =	smul.u32 $0x50, s16;
	s18 =	rddreg [dreg:$0x4]  }
0x18d: {  	s0 =	sadd.s32 s18, s14  }
0x18e: {  	s19 =	sadd.s32 $0x3800, s16;
	[sflag:s17] =	ssyncset.done $0x0;
	s0 =	sshll.u32 s0, $0x5  }
0x18f: {  	s20 =	simm.s32 $0x9000;
	[sflag:s17] =	ssyncadd.s32 $0xFFFFD000;
	s0 =	sadd.s32 s9, s0  }
0x190: {  	v3 =	vmov s19;
	[hbm4b:s0+s11] =	stream.linear.scatter [tilespmem:s20], [sflag:$0x4], $0x3000, $0x38;
	[tilespmem:$0x16000] =	vst v63  }
0x191: {  	s0 =	simm.s32 @!p0 $0x6  }
0x192: {  	_ =	swait.ge @!p0 [sflag:s0], $0x5000  }
0x193: {  	s21 =	simm.s32 $0x0;
	[sflag:s0] =	ssyncset.done @!p0 $0x0  }
0x194: {  	s22 =	sand.u32 $0x70, s21;
	[sflag:s0] =	ssyncadd.s32 @!p0 $0xFFFFB000  }
0x195: {  	v4 =	vld.idx.msk [tilespmem:v3+s22+$0x0 ss:$0x1], $0xffff;
	_ =	sdelay $0x2  }
0x196: {  	s23 =	sand.u32 $0xC, s21;
	s24 =	simm.s32 $0x2  }
0x197: {  	s25 =	sand.u32 $0xE, s24;
	v5 =	vmov s23  }
0x198: {  	s29 =	simm.s32 $0x3;
	s26 =	simm.s32 $0x1;
	v6 =	vmov s25;
	v5 =	vperm.xlane v4, v5  }
0x199: {  	s3 =	sand.u32 $0xD, s26;
	v7 =	vmov s29;
	v6 =	vperm.xlane v4, v6  }
0x19a: {  	v8 =	vmov s3;
	v7 =	vperm.xlane v4, v7;
	(v2sf) =	vpush v5, $0x0  }
0x19b: {  	v4 =	vperm.xlane v4, v8;
	(v2sf) =	vpush v6, $0x0  }
0x19c: {  	(v2sf) =	vpush v7, $0x0  }
0x19d: {  	(v2sf) =	vpush v4, $0x0;
	_ =	sdelay $0xb  }
0x19e: {  	s4 =	spop (v2sf)  }
0x19f: {  	s6 =	spop (v2sf)  }
0x1a0: {  	s8 =	spop (v2sf)  }
0x1a1: {  	s9 =	spop (v2sf)  }
0x1a2: {  	s2 =	sshll.u32 s9, $0xA  }
0x1a3: {  	s3 =	sshra.s32 s2, $0x2  }
0x1a4: {  	v4 =	vld [tilespmem:s3+$0x0]  }
0x1a5: {  	s19 =	simm.s32 $0x0  }
0x1a6: {  	s5 =	simm.s32 $0x80;
	s10 =	sand.u32 $0x7800, s19  }
0x1a7: {  	s7 =	sadd.s32 $0x11000, s10;
	s11 =	sand.u32 $0x280, s5  }
0x1a8: {  	s2 =	sor.u32 s11, s7  }
0x1a9: {  	[tilespmem:s2+$0x0] =	vst v4  }
0x1aa: {  	v4 =	vld [tilespmem:s3+$0x10]  }
0x1ab: {  	s1 =	sshll.u32 s6, $0xA  }
0x1ac: {  	s17 =	sshra.s32 s1, $0x2  }
0x1ad: {  	v5 =	vld [tilespmem:s17+$0x0];
	_ =	sdelay $0x1  }
0x1ae: {  	s12 =	simm.s32 $0x100;
	[tilespmem:s2+$0x10] =	vst v4  }
0x1af: {  	s0 =	sshll.u32 s4, $0xA;
	s1 =	sand.u32 $0x300, s12;
	v4 =	vld [tilespmem:s3+$0x20]  }
0x1b0: {  	s18 =	sshra.s32 s0, $0x2;
	s13 =	sor.u32 s1, s7  }
0x1b1: {  	v6 =	vld [tilespmem:s18+$0x0];
	[tilespmem:s13+$0x0] =	vst v5  }
0x1b2: {  	v5 =	vld [tilespmem:s17+$0x10]  }
0x1b3: {  	s14 =	simm.s32 $0x0  }
0x1b4: {  	s0 =	sand.u32 $0x200, s14;
	[tilespmem:s2+$0x20] =	vst v4  }
0x1b5: {  	s0 =	sor.u32 s0, s7;
	v4 =	vld [tilespmem:s3+$0x30]  }
0x1b6: {  	[tilespmem:s0+$0x0] =	vst v6  }
0x1b7: {  	v6 =	vld [tilespmem:s18+$0x10];
	[tilespmem:s13+$0x10] =	vst v5  }
0x1b8: {  	v5 =	vld [tilespmem:s17+$0x20];
	_ =	sdelay $0x1  }
0x1b9: {  	[tilespmem:s2+$0x30] =	vst v4  }
0x1ba: {  	s20 =	sshll.u32 s8, $0xA;
	v4 =	vld [tilespmem:s3+$0x40]  }
0x1bb: {  	s6 =	sshra.s32 s20, $0x2;
	[tilespmem:s0+$0x10] =	vst v6  }
0x1bc: {  	v6 =	vld [tilespmem:s6+$0x0];
	[tilespmem:s13+$0x20] =	vst v5  }
0x1bd: {  	v5 =	vld [tilespmem:s17+$0x30]  }
0x1be: {  	s21 =	simm.s32 $0x180;
	v7 =	vld [tilespmem:s18+$0x20]  }
0x1bf: {  	s1 =	sand.u32 $0x380, s21;
	[tilespmem:s2+$0x40] =	vst v4  }
0x1c0: {  	s14 =	sor.u32 s1, s7;
	v4 =	vld [tilespmem:s3+$0x50]  }
0x1c1: {  	[tilespmem:s14+$0x0] =	vst v6  }
0x1c2: {  	v6 =	vld [tilespmem:s6+$0x10];
	[tilespmem:s13+$0x30] =	vst v5  }
0x1c3: {  	s11 =	simm.s32 $0x4;
	[tilespmem:s0+$0x20] =	vst v7;
	v5 =	vld [tilespmem:s17+$0x40]  }
0x1c4: {  	s22 =	sand.u32 $0x70, s11;
	v7 =	vld [tilespmem:s18+$0x30]  }
0x1c5: {  	[tilespmem:s2+$0x50] =	vst v4;
	v4 =	vld.idx.msk [tilespmem:v3+s22+$0x0 ss:$0x1], $0xffff  }
0x1c6: {  	v8 =	vld [tilespmem:s3+$0x60]  }
0x1c7: {  	[tilespmem:s14+$0x10] =	vst v6  }
0x1c8: {  	v6 =	vld [tilespmem:s6+$0x20];
	[tilespmem:s13+$0x40] =	vst v5  }
0x1c9: {  	s24 =	simm.s32 $0x6;
	s23 =	sand.u32 $0xC, s11;
	[tilespmem:s0+$0x30] =	vst v7;
	v7 =	vld [tilespmem:s17+$0x50]  }
0x1ca: {  	s25 =	sand.u32 $0xE, s24;
	v9 =	vld [tilespmem:s18+$0x40];
	v5 =	vmov s23  }
0x1cb: {  	s26 =	simm.s32 $0x5;
	s29 =	simm.s32 $0x7;
	v10 =	vmov s25;
	v5 =	vperm.xlane v4, v5;
	[tilespmem:s2+$0x60] =	vst v8  }
0x1cc: {  	s4 =	sand.u32 $0xD, s26;
	v10 =	vperm.xlane v4, v10;
	v8 =	vmov s29;
	v11 =	vld [tilespmem:s3+$0x70]  }
0x1cd: {  	v12 =	vmov s4;
	[tilespmem:s14+$0x20] =	vst v6;
	v6 =	vperm.xlane v4, v8;
	(v2sf) =	vpush v5, $0x0  }
0x1ce: {  	[tilespmem:s13+$0x50] =	vst v7;
	v5 =	vld [tilespmem:s6+$0x30];
	v4 =	vperm.xlane v4, v12;
	(v2sf) =	vpush v10, $0x0  }
0x1cf: {  	[tilespmem:s0+$0x40] =	vst v9;
	(v2sf) =	vpush v6, $0x0;
	v6 =	vld [tilespmem:s17+$0x60]  }
0x1d0: {  	(v2sf) =	vpush v4, $0x0;
	v4 =	vld [tilespmem:s18+$0x50]  }
0x1d1: {  	[tilespmem:s2+$0x70] =	vst v11  }
0x1d2: {  	s7 =	sand.u32 $0x7, s19;
	v7 =	vld [tilespmem:s3+$0x80]  }
0x1d3: {  	s1 =	sshll.u32 s7, $0x7;
	[tilespmem:s14+$0x30] =	vst v5  }
0x1d4: {  	s2 =	sadd.s32 $0x0, s1;
	v5 =	vld [tilespmem:s6+$0x40];
	[tilespmem:s13+$0x60] =	vst v6  }
0x1d5: {  	s23 =	sadd.s32 $0x80, s2;
	[tilespmem:s0+$0x50] =	vst v4;
	v4 =	vld [tilespmem:s17+$0x70]  }
0x1d6: {  	s8 =	sor.u32 $0x400, s23  }
0x1d7: {  	v6 =	vld [tilespmem:s18+$0x60];
	[tilespmem:s8+$0x11000] =	vst v7  }
0x1d8: {  	v7 =	vld [tilespmem:s3+$0x90]  }
0x1d9: {  	[tilespmem:s14+$0x40] =	vst v5  }
0x1da: {  	s9 =	sand.u32 $0x3, s19;
	v5 =	vld [tilespmem:s6+$0x50];
	[tilespmem:s13+$0x70] =	vst v4  }
0x1db: {  	s1 =	sshll.u32 s9, $0x8;
	v4 =	vld [tilespmem:s17+$0x80]  }
0x1dc: {  	s1 =	sadd.s32 $0x0, s1;
	s12 =	sor.u32 $0x410, s23;
	[tilespmem:s0+$0x60] =	vst v6;
	s10 =	spop (v2sf)  }
0x1dd: {  	s13 =	simm.s32 $0x400;
	v6 =	vld [tilespmem:s18+$0x70];
	s4 =	sshll.u32 s10, $0xA;
	s20 =	spop (v2sf);
	[tilespmem:s12+$0x11000] =	vst v7  }
0x1de: {  	s10 =	sadd.s32 $0x100, s1;
	s8 =	sshra.s32 s4, $0x2;
	s21 =	sshll.u32 s20, $0xA;
	v7 =	vld [tilespmem:s3+$0xA0]  }
0x1df: {  	s7 =	spop (v2sf);
	[tilespmem:s14+$0x50] =	vst v5;
	s24 =	sor.u32 $0x400, s10;
	v5 =	vld [tilespmem:s8+$0x0];
	s9 =	sshra.s32 s21, $0x2  }
0x1e0: {  	s26 =	simm.s32 $0x200;
	s25 =	sand.u32 $0x7800, s13;
	s22 =	spop (v2sf);
	[tilespmem:s24+$0x11000] =	vst v4;
	v4 =	vld [tilespmem:s9+$0x0]  }
0x1e1: {  	s29 =	sor.u32 $0x420, s23;
	s5 =	sadd.s32 $0x11000, s25;
	v8 =	vld [tilespmem:s6+$0x60];
	s4 =	sshll.u32 s22, $0xA  }
0x1e2: {  	s20 =	sand.u32 $0x200, s26;
	s21 =	simm.s32 $0x300;
	[tilespmem:s0+$0x70] =	vst v6;
	v6 =	vld [tilespmem:s17+$0x90];
	s0 =	sshra.s32 s4, $0x2  }
0x1e3: {  	s24 =	sor.u32 s20, s5;
	s1 =	sand.u32 $0x300, s21;
	v9 =	vld [tilespmem:s0+$0x0];
	[tilespmem:s29+$0x11000] =	vst v7  }
0x1e4: {  	s28 =	sor.u32 s1, s5;
	[tilespmem:s24+$0x0] =	vst v5;
	v5 =	vld [tilespmem:s3+$0xB0]  }
0x1e5: {  	p0 =	por $0x0, $0x0;
	s22 =	simm.s32 $0x280;
	s1 =	simm.s32 $0x1;
	[tilespmem:s28+$0x0] =	vst v4;
	v4 =	vld [tilespmem:s18+$0x80]  }
0x1e6: {  	s25 =	sor.u32 $0x410, s10;
	s4 =	sand.u32 $0x280, s22;
	s1 =	simm.s32 @!p0 $0x0;
	[tilespmem:s14+$0x60] =	vst v8;
	v7 =	vld [tilespmem:s8+$0x10]  }
0x1e7: {  	s26 =	sor.u32 s4, s5;
	s1 =	sshll.u32 s1, $0x9;
	v8 =	vld [tilespmem:s9+$0x10];
	[tilespmem:s25+$0x11000] =	vst v6  }
0x1e8: {  	s29 =	sor.u32 $0x430, s23;
	s12 =	sadd.s32 $0x0, s1;
	[tilespmem:s26+$0x0] =	vst v9;
	v6 =	vld [tilespmem:s17+$0xA0]  }
0x1e9: {  	s1 =	sor.u32 $0x400, s12;
	v9 =	vld [tilespmem:s0+$0x10];
	[tilespmem:s29+$0x11000] =	vst v5  }
0x1ea: {  	[tilespmem:s1+$0x11000] =	vst v4;
	v4 =	vld [tilespmem:s6+$0x70]  }
0x1eb: {  	[tilespmem:s24+$0x10] =	vst v7;
	v5 =	vld [tilespmem:s3+$0xC0]  }
0x1ec: {  	s20 =	sor.u32 $0x420, s10;
	[tilespmem:s28+$0x10] =	vst v8;
	v7 =	vld [tilespmem:s18+$0x90]  }
0x1ed: {  	v8 =	vld [tilespmem:s8+$0x20];
	[tilespmem:s20+$0x11000] =	vst v6  }
0x1ee: {  	[tilespmem:s26+$0x10] =	vst v9;
	v6 =	vld [tilespmem:s17+$0xB0]  }
0x1ef: {  	s21 =	sor.u32 $0x440, s23;
	v9 =	vld [tilespmem:s0+$0x20];
	[tilespmem:s14+$0x70] =	vst v4  }
0x1f0: {  	s22 =	sor.u32 $0x410, s12;
	[tilespmem:s21+$0x11000] =	vst v5;
	v4 =	vld [tilespmem:s6+$0x80]  }
0x1f1: {  	[tilespmem:s22+$0x11000] =	vst v7;
	v5 =	vld [tilespmem:s3+$0xD0]  }
0x1f2: {  	s25 =	sor.u32 $0x430, s10;
	[tilespmem:s24+$0x20] =	vst v8;
	v7 =	vld [tilespmem:s18+$0xA0]  }
0x1f3: {  	s22 =	sadd.s32 $0x180, s2;
	v8 =	vld [tilespmem:s8+$0x30];
	[tilespmem:s25+$0x11000] =	vst v6  }
0x1f4: {  	s4 =	sshll.u32 s7, $0xA;
	s7 =	sor.u32 $0x400, s22;
	v6 =	vld [tilespmem:s9+$0x20];
	[tilespmem:s26+$0x20] =	vst v9  }
0x1f5: {  	s29 =	sor.u32 $0x450, s23;
	s21 =	sshra.s32 s4, $0x2;
	v9 =	vld [tilespmem:s0+$0x30];
	[tilespmem:s7+$0x11000] =	vst v4  }
0x1f6: {  	s14 =	sor.u32 $0x420, s12;
	v10 =	vld [tilespmem:s21+$0x0];
	[tilespmem:s29+$0x11000] =	vst v5  }
0x1f7: {  	[tilespmem:s14+$0x11000] =	vst v7;
	v5 =	vld [tilespmem:s3+$0xE0]  }
0x1f8: {  	[tilespmem:s24+$0x30] =	vst v8;
	v11 =	vld [tilespmem:s6+$0x90];
	s14 =	simm.s32 $0x380  }
0x1f9: {  	v4 =	vld [tilespmem:s17+$0xC0];
	[tilespmem:s28+$0x20] =	vst v6;
	s20 =	sand.u32 $0x380, s14  }
0x1fa: {  	p0 =	por !p0, !p0;
	s1 =	simm.s32 $0x1;
	v8 =	vld [tilespmem:s8+$0x40];
	s20 =	sor.u32 s20, s5;
	[tilespmem:s26+$0x30] =	vst v9  }
0x1fb: {  	s1 =	simm.s32 @!p0 $0x0;
	s25 =	sor.u32 $0x460, s23;
	v6 =	vld [tilespmem:s9+$0x30];
	[tilespmem:s20+$0x0] =	vst v10  }
0x1fc: {  	s1 =	sshll.u32 s1, $0x9;
	s29 =	sor.u32 $0x410, s22;
	v7 =	vld [tilespmem:s0+$0x40];
	[tilespmem:s25+$0x11000] =	vst v5  }
0x1fd: {  	s31 =	simm.s32 $0x0;
	[tilespmem:s29+$0x11000] =	vst v11;
	s25 =	simm.s32 $0x400;
	v5 =	vld [tilespmem:s3+$0xF0];
	s3 =	sadd.s32 $0x400, s1  }
.LBB2_5:
0x1fe: {  	s19 =	sadd.s32 $0x4, s19  }
0x1ff: {  	v9 =	vld [tilespmem:s21+$0x10];
	s31 =	sadd.s32 $0x2, s31;
	s1 =	smov.u32 s11;
	s11 =	sadd.s32 $0x4, s11  }
0x200: {  	s2 =	sand.u32 $0x70, s11;
	s4 =	sand.u32 $0xC, s11;
	p1 =	slt.u32 s11, $0x4C;
	[tilespmem:s28+$0x30] =	vst v6;
	v6 =	vld [tilespmem:s18+$0xB0]  }
0x201: {  	s5 =	sor.u32 $0x470, s23;
	[tilespmem:s26+$0x40] =	vst v7;
	v7 =	vld [tilespmem:s6+$0xA0]  }
0x202: {  	v10 =	vld [tilespmem:s0+$0x50];
	[tilespmem:s5+$0x11000] =	vst v5  }
0x203: {  	[tilespmem:s24+$0x40] =	vst v8;
	v5 =	vld [tilespmem:s9+$0x40]  }
0x204: {  	s7 =	sor.u32 $0x420, s22;
	s5 =	sor.u32 $0x430, s12;
	v8 =	vld [tilespmem:s8+$0x50];
	[tilespmem:s20+$0x10] =	vst v9  }
0x205: {  	s23 =	sadd.s32 $0x5, s1;
	s29 =	sadd.s32 $0x6, s1;
	s1 =	sadd.s32 $0x7, s1;
	v9 =	vld [tilespmem:s21+$0x20];
	[tilespmem:s5+$0x11000] =	vst v6  }
0x206: {  	v11 =	vmov s1;
	v6 =	vmov s4;
	s4 =	sand.u32 $0xD, s23;
	s5 =	sand.u32 $0xE, s29;
	v12 =	vld [tilespmem:s18+$0xC0];
	[tilespmem:s7+$0x11000] =	vst v7  }
0x207: {  	v7 =	vmov s5;
	[tilespmem:s26+$0x50] =	vst v10;
	v10 =	vld [tilespmem:s6+$0xB0]  }
0x208: {  	v14 =	vmov s4;
	v13 =	vld.idx.msk [tilespmem:v3+s2+$0x0 ss:$0x1], $0xffff;
	[tilespmem:s28+$0x40] =	vst v5  }
0x209: {  	[tilespmem:s24+$0x50] =	vst v8;
	v5 =	vld [tilespmem:s0+$0x60]  }
0x20a: {  	s1 =	sor.u32 $0x440, s12;
	v8 =	vld [tilespmem:s9+$0x50];
	[tilespmem:s20+$0x20] =	vst v9  }
0x20b: {  	v9 =	vld [tilespmem:s21+$0x30];
	[tilespmem:s1+$0x11000] =	vst v12;
	s1 =	sor.u32 $0x430, s22  }
0x20c: {  	s2 =	sor.u32 $0x440, s10;
	v12 =	vld [tilespmem:s8+$0x60];
	[tilespmem:s1+$0x11000] =	vst v10  }
0x20d: {  	[tilespmem:s2+$0x11000] =	vst v4;
	v4 =	vld [tilespmem:s6+$0xC0]  }
0x20e: {  	v6 =	vperm.xlane v13, v6;
	v10 =	vperm.xlane v13, v14;
	[tilespmem:s26+$0x60] =	vst v5;
	v5 =	vld [tilespmem:s18+$0xD0]  }
0x20f: {  	v7 =	vperm.xlane v13, v7;
	v11 =	vperm.xlane v13, v11;
	v13 =	vld [tilespmem:s0+$0x70];
	[tilespmem:s28+$0x50] =	vst v8  }
0x210: {  	(v2sf) =	vpush v6, $0x0;
	v6 =	vld [tilespmem:s9+$0x60];
	[tilespmem:s20+$0x30] =	vst v9  }
0x211: {  	s1 =	sor.u32 $0x440, s22;
	(v2sf) =	vpush v7, $0x0;
	[tilespmem:s24+$0x60] =	vst v12;
	v7 =	vld [tilespmem:s21+$0x40]  }
0x212: {  	s2 =	sor.u32 $0x450, s12;
	(v2sf) =	vpush v11, $0x0;
	v8 =	vld [tilespmem:s17+$0xD0];
	[tilespmem:s1+$0x11000] =	vst v4  }
0x213: {  	(v2sf) =	vpush v10, $0x0;
	[tilespmem:s2+$0x11000] =	vst v5;
	v4 =	vld [tilespmem:s6+$0xD0]  }
0x214: {  	v5 =	vld [tilespmem:s8+$0x70];
	[tilespmem:s26+$0x70] =	vst v13  }
0x215: {  	s1 =	sand.u32 $0x7, s19;
	v9 =	vld [tilespmem:s0+$0x80];
	[tilespmem:s28+$0x60] =	vst v6  }
0x216: {  	s1 =	sshll.u32 s1, $0x7;
	s2 =	sor.u32 $0x450, s10;
	v6 =	vld [tilespmem:s9+$0x70];
	[tilespmem:s20+$0x40] =	vst v7  }
0x217: {  	s29 =	sadd.s32 s13, s1;
	s1 =	sor.u32 $0x450, s22;
	v7 =	vld [tilespmem:s18+$0xE0];
	[tilespmem:s2+$0x11000] =	vst v8  }
0x218: {  	s23 =	sadd.s32 $0x80, s29;
	v8 =	vld [tilespmem:s17+$0xE0];
	[tilespmem:s1+$0x11000] =	vst v4  }
0x219: {  	s1 =	sor.u32 $0x400, s23;
	[tilespmem:s24+$0x70] =	vst v5;
	v4 =	vld [tilespmem:s6+$0xE0]  }
0x21a: {  	p0 =	por !p0, !p0;
	s2 =	simm.s32 $0x1;
	[tilespmem:s1+$0x11000] =	vst v9;
	v5 =	vld [tilespmem:s21+$0x50];
	s1 =	sor.u32 $0x460, s12  }
0x21b: {  	s4 =	sor.u32 $0x460, s10;
	s13 =	sadd.s32 $0x400, s13;
	s2 =	simm.s32 @!p0 $0x0;
	v9 =	vld [tilespmem:s0+$0x90];
	[tilespmem:s28+$0x70] =	vst v6  }
0x21c: {  	s14 =	sadd.s32 $0x200, s14;
	s5 =	sand.u32 $0x3, s31;
	s2 =	sshll.u32 s2, $0x9;
	v6 =	vld [tilespmem:s9+$0x80];
	[tilespmem:s1+$0x11000] =	vst v7  }
0x21d: {  	s1 =	sadd.s32 s2, s13;
	s2 =	sshll.u32 s5, $0x8;
	v7 =	vld [tilespmem:s18+$0xF0];
	[tilespmem:s4+$0x11000] =	vst v8;
	s4 =	sor.u32 $0x460, s22  }
0x21e: {  	s5 =	sor.u32 $0x470, s12;
	s2 =	sadd.s32 s25, s2;
	s25 =	smov.u32 s13;
	v8 =	vld [tilespmem:s17+$0xF0];
	[tilespmem:s4+$0x11000] =	vst v4  }
0x21f: {  	s7 =	sor.u32 $0x410, s23;
	s17 =	sadd.s32 $0x100, s2;
	s4 =	spop (v2sf);
	[tilespmem:s20+$0x50] =	vst v5;
	v4 =	vld [tilespmem:s6+$0xF0]  }
0x220: {  	s6 =	sor.u32 $0x400, s17;
	s2 =	sshll.u32 s4, $0xA;
	s4 =	spop (v2sf);
	[tilespmem:s7+$0x11000] =	vst v9;
	v5 =	vld [tilespmem:s21+$0x60]  }
0x221: {  	s26 =	sshra.s32 s2, $0x2;
	s2 =	sshll.u32 s4, $0xA;
	s4 =	spop (v2sf);
	v9 =	vld [tilespmem:s0+$0xA0];
	[tilespmem:s6+$0x11000] =	vst v6  }
0x222: {  	v6 =	vld [tilespmem:s26+$0x0];
	s7 =	sshll.u32 s4, $0xA;
	s4 =	spop (v2sf);
	[tilespmem:s5+$0x11000] =	vst v7;
	s5 =	sor.u32 $0x470, s10  }
0x223: {  	s6 =	sshra.s32 s2, $0x2;
	s2 =	sor.u32 $0x470, s22;
	s4 =	sshll.u32 s4, $0xA;
	v7 =	vld [tilespmem:s9+$0x90];
	[tilespmem:s5+$0x11000] =	vst v8  }
0x224: {  	s12 =	sor.u32 $0x420, s23;
	s10 =	sadd.s32 $0xFFFFFE80, s14;
	s5 =	sand.u32 $0x7800, s13;
	v8 =	vld [tilespmem:s6+$0x0];
	[tilespmem:s2+$0x11000] =	vst v4  }
0x225: {  	s10 =	sand.u32 $0x200, s10;
	s5 =	sadd.s32 $0x11000, s5;
	s2 =	sshra.s32 s4, $0x2  }
0x226: {  	s4 =	sadd.s32 $0xFFFFFF80, s14;
	s24 =	sor.u32 s10, s5;
	v4 =	vld [tilespmem:s2+$0x0];
	[tilespmem:s12+$0x11000] =	vst v9;
	s12 =	smov.u32 s3  }
0x227: {  	s4 =	sand.u32 $0x300, s4;
	s10 =	smov.u32 s17;
	s3 =	smov.u32 s1;
	[tilespmem:s24+$0x0] =	vst v6;
	v6 =	vld [tilespmem:s0+$0xB0]  }
0x228: {  	s18 =	smov.u32 s8;
	s1 =	sadd.s32 $0xFFFFFF00, s14;
	s28 =	sor.u32 s4, s5;
	v9 =	vld [tilespmem:s26+$0x10];
	[tilespmem:s20+$0x60] =	vst v5  }
0x229: {  	s8 =	smov.u32 s26;
	s4 =	sor.u32 $0x410, s10;
	s1 =	sand.u32 $0x280, s1;
	[tilespmem:s28+$0x0] =	vst v8;
	v5 =	vld [tilespmem:s18+$0x80]  }
0x22a: {  	s17 =	smov.u32 s9;
	s9 =	smov.u32 s6;
	s26 =	sor.u32 s1, s5;
	v8 =	vld [tilespmem:s6+$0x10];
	[tilespmem:s4+$0x11000] =	vst v7  }
0x22b: {  	s1 =	sor.u32 $0x430, s23;
	s6 =	smov.u32 s21;
	[tilespmem:s26+$0x0] =	vst v4;
	v4 =	vld [tilespmem:s17+$0xA0]  }
0x22c: {  	v7 =	vld [tilespmem:s2+$0x10];
	[tilespmem:s1+$0x11000] =	vst v6  }
0x22d: {  	s1 =	sor.u32 $0x400, s12;
	[tilespmem:s24+$0x10] =	vst v9;
	v6 =	vld [tilespmem:s0+$0xC0]  }
0x22e: {  	[tilespmem:s1+$0x11000] =	vst v5;
	v5 =	vld [tilespmem:s6+$0x70]  }
0x22f: {  	s1 =	sor.u32 $0x420, s10;
	[tilespmem:s28+$0x10] =	vst v8;
	v8 =	vld [tilespmem:s18+$0x90]  }
0x230: {  	v9 =	vld [tilespmem:s8+$0x20];
	[tilespmem:s1+$0x11000] =	vst v4  }
0x231: {  	s1 =	sor.u32 $0x440, s23;
	[tilespmem:s26+$0x10] =	vst v7;
	v4 =	vld [tilespmem:s17+$0xB0]  }
0x232: {  	v7 =	vld [tilespmem:s2+$0x20];
	[tilespmem:s1+$0x11000] =	vst v6  }
0x233: {  	s1 =	sor.u32 $0x410, s12;
	v6 =	vld [tilespmem:s0+$0xD0];
	[tilespmem:s20+$0x70] =	vst v5  }
0x234: {  	[tilespmem:s1+$0x11000] =	vst v8;
	v5 =	vld [tilespmem:s6+$0x80]  }
0x235: {  	s1 =	sor.u32 $0x430, s10;
	[tilespmem:s24+$0x20] =	vst v9;
	v8 =	vld [tilespmem:s18+$0xA0]  }
0x236: {  	v9 =	vld [tilespmem:s8+$0x30];
	[tilespmem:s1+$0x11000] =	vst v4  }
0x237: {  	s22 =	sadd.s32 $0x180, s29;
	s1 =	sor.u32 $0x450, s23;
	[tilespmem:s26+$0x20] =	vst v7;
	v4 =	vld [tilespmem:s9+$0x20]  }
0x238: {  	v7 =	vld [tilespmem:s2+$0x30];
	[tilespmem:s1+$0x11000] =	vst v6;
	s1 =	sor.u32 $0x400, s22  }
0x239: {  	s21 =	sshra.s32 s7, $0x2;
	s4 =	sor.u32 $0x420, s12;
	v10 =	vld [tilespmem:s0+$0xE0];
	[tilespmem:s1+$0x11000] =	vst v5  }
0x23a: {  	v5 =	vld [tilespmem:s21+$0x0];
	[tilespmem:s4+$0x11000] =	vst v8  }
0x23b: {  	[tilespmem:s24+$0x30] =	vst v9;
	v9 =	vld [tilespmem:s6+$0x90]  }
.Ltmp1:
0x23c: {  	[tilespmem:s28+$0x20] =	vst v4;
	v4 =	vld [tilespmem:s17+$0xC0];
	(pc) =	sbr.rel @p1 .LBB2_5-.Ltmp1, $4  }
0x23d: {  	s1 =	sand.u32 $0x380, s14;
	s4 =	sor.u32 $0x460, s23;
	[tilespmem:s26+$0x30] =	vst v7;
	v6 =	vld [tilespmem:s9+$0x30]  }
0x23e: {  	s20 =	sor.u32 s1, s5;
	v7 =	vld [tilespmem:s2+$0x40];
	[tilespmem:s4+$0x11000] =	vst v10  }
0x23f: {  	s1 =	sor.u32 $0x410, s22;
	[tilespmem:s20+$0x0] =	vst v5;
	v5 =	vld [tilespmem:s0+$0xF0];
	s0 =	smov.u32 s2  }
0x240: {  	v8 =	vld [tilespmem:s8+$0x40];
	[tilespmem:s1+$0x11000] =	vst v9  }
0x241: {  	v3 =	vld [tilespmem:s21+$0x10];
	_ =	sdelay $0x4  }
0x242: {  	[tilespmem:s20+$0x10] =	vst v3  }
0x243: {  	v3 =	vld [tilespmem:s21+$0x20];
	_ =	sdelay $0x4  }
0x244: {  	[tilespmem:s20+$0x20] =	vst v3  }
0x245: {  	v3 =	vld [tilespmem:s21+$0x30];
	_ =	sdelay $0x2  }
0x246: {  	[tilespmem:s26+$0x40] =	vst v7  }
0x247: {  	[tilespmem:s28+$0x30] =	vst v6;
	v7 =	vld [tilespmem:s0+$0x50]  }
0x248: {  	v6 =	vld [tilespmem:s9+$0x40];
	[tilespmem:s20+$0x30] =	vst v3  }
0x249: {  	v3 =	vld [tilespmem:s21+$0x40];
	_ =	sdelay $0x1  }
0x24a: {  	[tilespmem:s24+$0x40] =	vst v8  }
0x24b: {  	v8 =	vld [tilespmem:s8+$0x50];
	[tilespmem:s26+$0x50] =	vst v7  }
0x24c: {  	[tilespmem:s28+$0x40] =	vst v6;
	v7 =	vld [tilespmem:s0+$0x60]  }
0x24d: {  	v6 =	vld [tilespmem:s9+$0x50];
	[tilespmem:s20+$0x40] =	vst v3  }
0x24e: {  	v3 =	vld [tilespmem:s21+$0x50];
	_ =	sdelay $0x1  }
0x24f: {  	[tilespmem:s24+$0x50] =	vst v8  }
0x250: {  	v8 =	vld [tilespmem:s8+$0x60];
	[tilespmem:s26+$0x60] =	vst v7  }
0x251: {  	[tilespmem:s28+$0x50] =	vst v6;
	v7 =	vld [tilespmem:s0+$0x70]  }
0x252: {  	v6 =	vld [tilespmem:s9+$0x60];
	[tilespmem:s20+$0x50] =	vst v3  }
0x253: {  	v3 =	vld [tilespmem:s21+$0x60];
	_ =	sdelay $0x1  }
0x254: {  	[tilespmem:s24+$0x60] =	vst v8  }
0x255: {  	s1 =	sadd.s32 $0x4, s19;
	v8 =	vld [tilespmem:s8+$0x70];
	[tilespmem:s26+$0x70] =	vst v7  }
0x256: {  	s1 =	sand.u32 $0x7, s1;
	[tilespmem:s28+$0x60] =	vst v6;
	v43 =	vld [tilespmem:s0+$0x80]  }
0x257: {  	s2 =	sadd.s32 $0x2, s31;
	s1 =	sshll.u32 s1, $0x7;
	v6 =	vld [tilespmem:s9+$0x70];
	[tilespmem:s20+$0x60] =	vst v3  }
0x258: {  	s2 =	sand.u32 $0x3, s2;
	s1 =	sadd.s32 s13, s1;
	v3 =	vld [tilespmem:s21+$0x70]  }
0x259: {  	v45 =	vld [tilespmem:s6+$0xA0];
	s2 =	sshll.u32 s2, $0x8;
	s11 =	sadd.s32 $0x80, s1  }
0x25a: {  	v42 =	vld [tilespmem:s18+$0xB0];
	s2 =	sadd.s32 s25, s2;
	s25 =	sor.u32 $0x400, s11;
	[tilespmem:s24+$0x70] =	vst v8  }
0x25b: {  	v44 =	vld [tilespmem:s8+$0x80];
	[tilespmem:s25+$0x11000] =	vst v43  }
0x25c: {  	[tilespmem:s28+$0x70] =	vst v6;
	v8 =	vld [tilespmem:s0+$0x90]  }
0x25d: {  	s29 =	sor.u32 $0x420, s22;
	v9 =	vld [tilespmem:s9+$0x80];
	[tilespmem:s20+$0x70] =	vst v3  }
0x25e: {  	[tilespmem:s29+$0x11000] =	vst v45;
	s24 =	sor.u32 $0x430, s12;
	v3 =	vld [tilespmem:s21+$0x80]  }
0x25f: {  	s26 =	sor.u32 $0x400, s3;
	[tilespmem:s24+$0x11000] =	vst v42  }
0x260: {  	s13 =	sadd.s32 $0x100, s2;
	s2 =	sor.u32 $0x410, s11;
	v47 =	vld [tilespmem:s6+$0xB0];
	[tilespmem:s26+$0x11000] =	vst v44  }
0x261: {  	s14 =	sadd.s32 $0x180, s1;
	s28 =	sor.u32 $0x400, s13;
	v6 =	vld [tilespmem:s8+$0x90];
	[tilespmem:s2+$0x11000] =	vst v8  }
0x262: {  	s1 =	sor.u32 $0x400, s14;
	[tilespmem:s28+$0x11000] =	vst v9;
	v48 =	vld [tilespmem:s0+$0xA0]  }
0x263: {  	s4 =	sor.u32 $0x470, s23;
	[tilespmem:s1+$0x11000] =	vst v3;
	v3 =	vld [tilespmem:s9+$0x90]  }
0x264: {  	s19 =	sor.u32 $0x430, s22;
	[tilespmem:s4+$0x11000] =	vst v5;
	v7 =	vld [tilespmem:s18+$0xC0]  }
0x265: {  	s4 =	sor.u32 $0x410, s3;
	[tilespmem:s19+$0x11000] =	vst v47  }
0x266: {  	s23 =	sor.u32 $0x420, s11;
	[tilespmem:s4+$0x11000] =	vst v6;
	v46 =	vld [tilespmem:s21+$0x90]  }
0x267: {  	s5 =	sor.u32 $0x410, s13;
	v51 =	vld [tilespmem:s6+$0xC0];
	[tilespmem:s23+$0x11000] =	vst v48  }
0x268: {  	s31 =	sor.u32 $0x440, s12;
	[tilespmem:s5+$0x11000] =	vst v3;
	v3 =	vld [tilespmem:s8+$0xA0]  }
0x269: {  	[tilespmem:s31+$0x11000] =	vst v7;
	v7 =	vld [tilespmem:s0+$0xB0]  }
0x26a: {  	s7 =	sor.u32 $0x410, s14;
	v52 =	vld [tilespmem:s18+$0xD0]  }
0x26b: {  	s28 =	sor.u32 $0x440, s22;
	[tilespmem:s7+$0x11000] =	vst v46;
	v49 =	vld [tilespmem:s9+$0xA0]  }
0x26c: {  	s24 =	sor.u32 $0x420, s3;
	[tilespmem:s28+$0x11000] =	vst v51;
	v50 =	vld [tilespmem:s21+$0xA0]  }
0x26d: {  	s31 =	sor.u32 $0x430, s11;
	[tilespmem:s24+$0x11000] =	vst v3  }
0x26e: {  	s29 =	sor.u32 $0x450, s12;
	[tilespmem:s31+$0x11000] =	vst v7;
	v3 =	vld [tilespmem:s8+$0xB0]  }
0x26f: {  	s25 =	sor.u32 $0x420, s13;
	[tilespmem:s29+$0x11000] =	vst v52;
	v7 =	vld [tilespmem:s0+$0xC0]  }
0x270: {  	s26 =	sor.u32 $0x420, s14;
	v55 =	vld [tilespmem:s6+$0xD0];
	[tilespmem:s25+$0x11000] =	vst v49  }
0x271: {  	s20 =	sor.u32 $0x440, s10;
	[tilespmem:s26+$0x11000] =	vst v50;
	v5 =	vld [tilespmem:s9+$0xB0]  }
0x272: {  	s2 =	sor.u32 $0x430, s3;
	[tilespmem:s20+$0x11000] =	vst v4;
	v53 =	vld [tilespmem:s21+$0xB0]  }
0x273: {  	s20 =	sor.u32 $0x440, s11;
	v54 =	vld [tilespmem:s17+$0xD0];
	[tilespmem:s2+$0x11000] =	vst v3  }
0x274: {  	s19 =	sor.u32 $0x450, s22;
	[tilespmem:s20+$0x11000] =	vst v7;
	v3 =	vld [tilespmem:s8+$0xC0]  }
0x275: {  	s4 =	sor.u32 $0x430, s13;
	[tilespmem:s19+$0x11000] =	vst v55;
	v7 =	vld [tilespmem:s0+$0xD0]  }
0x276: {  	v58 =	vld [tilespmem:s18+$0xE0];
	s5 =	sor.u32 $0x430, s14;
	[tilespmem:s4+$0x11000] =	vst v5  }
0x277: {  	s7 =	sor.u32 $0x450, s10;
	[tilespmem:s5+$0x11000] =	vst v53;
	v56 =	vld [tilespmem:s9+$0xC0]  }
0x278: {  	s23 =	sor.u32 $0x440, s3;
	[tilespmem:s7+$0x11000] =	vst v54;
	v57 =	vld [tilespmem:s21+$0xC0]  }
0x279: {  	s29 =	sor.u32 $0x450, s11;
	v59 =	vld [tilespmem:s17+$0xE0];
	[tilespmem:s23+$0x11000] =	vst v3  }
0x27a: {  	[tilespmem:s29+$0x11000] =	vst v7;
	s26 =	sor.u32 $0x460, s12;
	v3 =	vld [tilespmem:s8+$0xD0]  }
0x27b: {  	s24 =	sor.u32 $0x440, s13;
	v7 =	vld [tilespmem:s0+$0xE0];
	[tilespmem:s26+$0x11000] =	vst v58  }
0x27c: {  	v60 =	vld [tilespmem:s6+$0xE0];
	s25 =	sor.u32 $0x440, s14;
	[tilespmem:s24+$0x11000] =	vst v56  }
0x27d: {  	s28 =	sor.u32 $0x460, s10;
	[tilespmem:s25+$0x11000] =	vst v57;
	v4 =	vld [tilespmem:s9+$0xD0]  }
0x27e: {  	s31 =	sor.u32 $0x450, s3;
	[tilespmem:s28+$0x11000] =	vst v59;
	v5 =	vld [tilespmem:s21+$0xD0]  }
0x27f: {  	s7 =	sor.u32 $0x470, s12;
	s12 =	sor.u32 $0x460, s11;
	v61 =	vld [tilespmem:s18+$0xF0];
	[tilespmem:s31+$0x11000] =	vst v3  }
0x280: {  	[tilespmem:s12+$0x11000] =	vst v7;
	s5 =	sor.u32 $0x460, s22;
	v3 =	vld [tilespmem:s8+$0xE0]  }
0x281: {  	v62 =	vld [tilespmem:s17+$0xF0];
	s2 =	sor.u32 $0x450, s13;
	[tilespmem:s5+$0x11000] =	vst v60  }
0x282: {  	v7 =	vld [tilespmem:s0+$0xF0];
	s4 =	sor.u32 $0x450, s14;
	[tilespmem:s2+$0x11000] =	vst v4  }
0x283: {  	[tilespmem:s4+$0x11000] =	vst v5;
	v4 =	vld [tilespmem:s9+$0xE0]  }
0x284: {  	s17 =	sor.u32 $0x460, s3;
	[tilespmem:s7+$0x11000] =	vst v61;
	v5 =	vld [tilespmem:s21+$0xE0]  }
0x285: {  	s20 =	sor.u32 $0x470, s10;
	v63 =	vld [tilespmem:s6+$0xF0];
	[tilespmem:s17+$0x11000] =	vst v3  }
0x286: {  	[tilespmem:s20+$0x11000] =	vst v62;
	s23 =	sor.u32 $0x470, s11;
	v3 =	vld [tilespmem:s8+$0xF0]  }
0x287: {  	s18 =	sor.u32 $0x460, s13;
	[tilespmem:s23+$0x11000] =	vst v7  }
0x288: {  	s19 =	sor.u32 $0x460, s14;
	[tilespmem:s18+$0x11000] =	vst v4  }
0x289: {  	s22 =	sor.u32 $0x470, s22;
	v4 =	vld [tilespmem:s9+$0xF0];
	[tilespmem:s19+$0x11000] =	vst v5  }
0x28a: {  	s15 =	sadd.s32 $0x1, s15;
	s24 =	sor.u32 $0x470, s3;
	[tilespmem:s22+$0x11000] =	vst v63;
	v5 =	vld [tilespmem:s21+$0xF0]  }
0x28b: {  	p0 =	sne.s32 s15, $0x40;
	[tilespmem:s24+$0x11000] =	vst v3  }
.Ltmp2:
0x28c: {  	s1 =	rddreg [dreg:$0x6];
	(pc) =	sbr.rel @p0 .LBB2_2-.Ltmp2, $4  }
0x28d: {  	s26 =	sor.u32 $0x470, s14;
	s25 =	sor.u32 $0x470, s13;
	s1 =	sadd.s32 s1, s16  }
0x28e: {  	s28 =	rddreg [dreg:$0x2];
	s31 =	simm.s32 $0x11000;
	[tilespmem:s25+$0x11000] =	vst v4;
	s1 =	sshll.u32 s1, $0x5  }
0x28f: {  	s4 =	simm.s32 $0x0;
	[tilespmem:s26+$0x11000] =	vst v5;
	s29 =	sadd.s32 s28, s1;
	s1 =	smov.u32 s28  }
0x290: {  	[hbm4b:s29+s4] =	stream.linear.scatter [tilespmem:s31], [sflag:$0x6], $0x5000, $0x38;
	[tilespmem:$0x16000] =	vst v63  }
0x291: {  	s0 =	simm.s32 $0x4  }
0x292: {  	_ =	swait.ge [sflag:s0], $0x3000  }
0x293: {  	[sflag:s0] =	ssyncset.done $0x0  }
0x294: {  	s29 =	simm.s32 $0x5;
	[sflag:s0] =	ssyncadd.s32 $0xFFFFD000  }
0x295: {  	_ =	swait.ge [sflag:s29], $0x5000  }
0x296: {  	[sflag:s29] =	ssyncset.done $0x0  }
0x297: {  	s2 =	simm.s32 $0x6;
	[sflag:s29] =	ssyncadd.s32 $0xFFFFB000  }
0x298: {  	_ =	swait.ge [sflag:s2], $0x5000  }
0x299: {  	s3 =	rddreg [dreg:$0xa]  }
0x29a: {  	s31 =	rddreg [dreg:$0x9];
	s3 =	sadd.s32 $0x1, s3  }
0x29b: {  	p0 =	sne.s32 s3, s31  }
.Ltmp3:
0x29c: {  	_ = 	snop;
	(pc) =	sbr.rel @p0 .LBB2_1-.Ltmp3, $3  }
0x29d: {  	_ =	sdelay $0x1  }
0x29e: {  	[sflag:s2] =	ssyncset.done $0x0  }
0x29f: {  	[sflag:s2] =	ssyncadd.s32 $0xFFFFB000  }
0x2a0: {  	_ =	sfence.sel $0x180000  }
0x2a1: {  	[bflag:$0x0] =	sbarrier.arrive $0xFFFF  }
0x2a2: {  	_ =	strace $0x90000047  }
0x2a3: {  	s0 =	stileid.u32;
	[bflag:$0x2] =	sbarrier.arrive $0xFFFF  }
0x2a4: {  	p0 =	sne.s32 s0, $0x0;
	s0 =	rddreg [dreg:$0x3]  }
0x2a5: {  	s0 =	sadd.s32 @!p0 $0x100000, s0  }
0x2a6: {  	[sflag:s0] =	ssyncadd.tile.s32 @!p0 $0x1;
	_ =	shalt  }
.Lfunc_end2:
_tile_overlayer_lowered:
.L_overlay_start_2:
0x2a7: {  	(tag) =	ssettag $0x2  }
0x2a8: {  	s0 =	rddreg [dreg:$0x0];
	s2 =	stileid.u32  }
0x2a9: {  	s1 =	rddreg [dreg:$0x1];
	p0 =	sne.s32 s2, $0x0  }
0x2aa: {  	s3 =	rddreg [dreg:$0x2];
	[bflag:$0x3] =	sbarrier.arrive $0xFFFF;
	s2 =	simm.s32 @!p0 $0x1C07  }
0x2ab: {  	[timem:s3], [sflag:s2] =	dma.local @!p0 [hbm:s0], s1  }
0x2ac: {  	s0 =	simm.s32 @!p0 $0x7  }
0x2ad: {  	_ =	swait.ge @!p0 [sflag:s0], s1  }
0x2ae: {  	s1 =	ssub.s32 @!p0 $0x0, s1;
	[sflag:s0] =	ssyncset.done @!p0 $0x0  }
0x2af: {  	[sflag:s0] =	ssyncadd.s32 @!p0 s1  }
0x2b0: {  	[bflag:$0x3] =	sbarrier.arrive $0xFFFF  }
0x2b1: {  	_ =	shalt  }

</sc_bundles>
